<compile_context>
chip_gen: v7x
topology: tpu7x:2x2x1
jax: 0.10.2.dev20260603
libtpu: 0.0.44.dev20260713+nightly
codegen_flags: <defaults>
</compile_context>

<pallas_src>
import functools

import jax
import jax.numpy as jnp
from jax import lax
from jax.experimental import pallas as pl
from jax.experimental.pallas import tpu as pltpu
from jax.experimental.pallas import tpu_sc as plsc

_NC = 2
_NS = 16
_NW = _NC * _NS
_CHUNK = 128
_NBUF = 5


@functools.partial(jax.jit, static_argnames=("b_total", "d"))
def _sc_gather(index_flat, emb_weight, *, b_total, d):
    b_per_w = b_total // _NW
    n_chunks = b_per_w // _CHUNK
    mesh = plsc.VectorSubcoreMesh(core_axis_name="c", subcore_axis_name="s")

    @functools.partial(
        pl.kernel,
        out_type=jax.ShapeDtypeStruct((b_total, d), jnp.float32),
        mesh=mesh,
        scratch_types=[
            pltpu.VMEM((b_per_w,), jnp.int32),
            pltpu.VMEM((_NBUF, _CHUNK, d), jnp.float32),
        ] + [pltpu.SemaphoreType.DMA] * _NBUF,
        compiler_params=pltpu.CompilerParams(use_tc_tiling_on_sc=False),
    )
    def gather_kernel(idx_hbm, table_hbm, out_hbm, idx_v, rows_v, *sems):
        wid = lax.axis_index("s") * _NC + lax.axis_index("c")
        base = wid * b_per_w
        pltpu.sync_copy(idx_hbm.at[pl.ds(base, b_per_w)], idx_v)

        def fire(i, b):
            off = pl.multiple_of(i * _CHUNK, _CHUNK)
            pltpu.async_copy(
                table_hbm.at[idx_v.at[pl.ds(off, _CHUNK)]],
                rows_v.at[b],
                sems[b],
            )

        for b in range(_NBUF):
            fire(b, b)

        def outer(g, carry):
            for b in range(_NBUF):
                i = g * _NBUF + b
                off = pl.multiple_of(i * _CHUNK, _CHUNK)
                pltpu.make_async_copy(
                    table_hbm.at[idx_v.at[pl.ds(off, _CHUNK)]],
                    rows_v.at[b],
                    sems[b],
                ).wait()
                pltpu.sync_copy(
                    rows_v.at[b], out_hbm.at[pl.ds(base + off, _CHUNK)]
                )
                nxt = i + _NBUF

                @pl.when(nxt < n_chunks)
                def _():
                    fire(nxt, b)

            return carry

        lax.fori_loop(0, n_chunks // _NBUF, outer, 0)

    return gather_kernel(index_flat, emb_weight)


def kernel(index, emb_weight):
    b, s = index.shape
    d = emb_weight.shape[1]
    out = _sc_gather(index.reshape(-1), emb_weight, b_total=b * s, d=d)
    return out.reshape(b, s, d)

# --- scband reference (transcript-rebuilt; emitter-appended) ---
"""Pipeline reference for scband-customized-embedding-2740189135406 (READ-ONLY COPY).

The authoritative reference and input builder live on the scoring server;
editing this copy changes nothing except your own understanding.
"""

import jax, jax.numpy as jnp
import numpy as np

CONCEPT_NUM = 1000000
EMB_DIM = 64
SCALE = 1.0


def setup_inputs(seed: int = 0) -> dict:
    key = jax.random.key(seed)
    k1, k2 = jax.random.split(key)
    index = jax.random.randint(k1, (4096, 50), 0, CONCEPT_NUM, dtype=jnp.int32)
    # nn.Embedding weight initialized with normal(mean=0, std=init_range=0.02)
    emb_weight = jax.random.normal(k2, (CONCEPT_NUM, EMB_DIM), dtype=jnp.float32) * 0.02
    # padding_idx=0 row conceptually the padding row (torch overwrites it via normal_ here,
    # so we keep the sampled values to stay faithful to the given code path)
    return {"index": index, "emb_weight": emb_weight}


def reference(index, emb_weight):
    # concept_in_dim == concept_out_dim, so no cpt_transform branch is created.
    # forward: self.emb(index) * self.scale
    out = jnp.take(emb_weight, index, axis=0) * SCALE
    return out

if __name__ == "__main__":
    import jax
    _d = setup_inputs()
    print(jax.jit(kernel)(*tuple(_d.values())))

</pallas_src>

<mosaic_0001>
#map = affine_map<(d0, d1) -> (0)>
#map1 = affine_map<(d0, d1) -> (0, 0)>
module attributes {stable_mosaic.version = 14 : i64} {
  func.func @gather_kernel(%arg0: i32, %arg1: i32, %arg2: memref<204800xi32, #tpu.memory_space<hbm>>, %arg3: memref<1000000x64xf32, #tpu.memory_space<hbm>>, %arg4: memref<204800x64xf32, #tpu.memory_space<hbm>>, %arg5: memref<6400xi32, #tpu.memory_space<vmem>>, %arg6: memref<5x128x64xf32, #tpu.memory_space<vmem>>, %arg7: memref<!tpu.dma_semaphore, #tpu.memory_space<semaphore_mem>>, %arg8: memref<!tpu.dma_semaphore, #tpu.memory_space<semaphore_mem>>, %arg9: memref<!tpu.dma_semaphore, #tpu.memory_space<semaphore_mem>>, %arg10: memref<!tpu.dma_semaphore, #tpu.memory_space<semaphore_mem>>, %arg11: memref<!tpu.dma_semaphore, #tpu.memory_space<semaphore_mem>>) attributes {dimension_semantics = [#tpu.dimension_semantics<core_parallel>, #tpu.dimension_semantics<subcore_parallel>], iteration_bounds = array<i64: 2, 16>, scalar_prefetch = 0 : i64, scratch_operands = 7 : i64, tpu.core_type = #tpu.core_type<sc_vector_subcore>, window_params = [{transform_indices = #map}, {transform_indices = #map1}, {transform_indices = #map1}]} {
    %mul3A = arith.constant 2 : i32
    %mul3A_0 = arith.muli %arg1, %mul3A : i32
    %add3A = arith.addi %mul3A_0, %arg0 : i32
    %mul3A_1 = arith.constant 6400 : i32
    %mul3A_2 = arith.muli %add3A, %mul3A_1 : i32
    "tpu.region"() ({
      %run_scoped3A = tpu.sem_alloc : memref<!tpu.dma_semaphore, #tpu.memory_space<semaphore_mem>>
      %dma_start3A_61 = tpu.memref_slice %arg2[%mul3A_2] : memref<204800xi32, #tpu.memory_space<hbm>> -> memref<6400xi32, #tpu.memory_space<hbm>>
      %dma_start3A_62 = tpu.memref_slice %arg2[%mul3A_2] : memref<204800xi32, #tpu.memory_space<hbm>> -> memref<6400xi32, #tpu.memory_space<hbm>>
      tpu.enqueue_dma source(%dma_start3A_62 : memref<6400xi32, #tpu.memory_space<hbm>>) target(%arg5 : memref<6400xi32, #tpu.memory_space<vmem>>) target_semaphore(%run_scoped3A : memref<!tpu.dma_semaphore, #tpu.memory_space<semaphore_mem>>)
      %dma_wait3A = tpu.memref_slice %arg2[%mul3A_2] : memref<204800xi32, #tpu.memory_space<hbm>> -> memref<6400xi32, #tpu.memory_space<hbm>>
      %dma_wait3A_63 = tpu.memref_slice %arg2[%mul3A_2] : memref<204800xi32, #tpu.memory_space<hbm>> -> memref<6400xi32, #tpu.memory_space<hbm>>
      tpu.wait_dma2 semaphore(%run_scoped3A : memref<!tpu.dma_semaphore, #tpu.memory_space<semaphore_mem>>) src(%dma_wait3A_63 : memref<6400xi32, #tpu.memory_space<hbm>>) dst(%arg5 : memref<6400xi32, #tpu.memory_space<vmem>>)
      tpu.yield
    }) : () -> ()
    %multiple_of3A = arith.constant 0 : i32
    %multiple_of3A_3 = tpu.assume_multiple %multiple_of3A, 128 : i32
    %dma_start3A = arith.constant 0 : i32
    %dma_start3A_4 = arith.constant 0 : i32
    %dma_start3A_5 = arith.constant 0 : i32
    %dma_start3A_6 = tpu.memref_slice %arg6[%dma_start3A, %dma_start3A_4, %dma_start3A_5] : memref<5x128x64xf32, #tpu.memory_space<vmem>> -> memref<1x128x64xf32, #tpu.memory_space<vmem>>
    %dma_start3A_7 = tpu.memref_squeeze %dma_start3A_6 : memref<1x128x64xf32, #tpu.memory_space<vmem>> -> memref<128x64xf32, #tpu.memory_space<vmem>>
    %dma_start3A_8 = tpu.memref_slice %arg5[%multiple_of3A_3] : memref<6400xi32, #tpu.memory_space<vmem>> -> memref<128xi32, #tpu.memory_space<vmem>>
    %dma_start3A_9 = arith.constant 0 : i32
    %dma_start3A_10 = arith.constant 0 : i32
    %dma_start3A_11 = tpu.memref_slice %arg3[%dma_start3A_9, %dma_start3A_10] : memref<1000000x64xf32, #tpu.memory_space<hbm>> -> memref<1000000x64xf32, #tpu.memory_space<hbm>>
    tpu.enqueue_indirect_dma source(%dma_start3A_11 : memref<1000000x64xf32, #tpu.memory_space<hbm>>) target(%dma_start3A_7 : memref<128x64xf32, #tpu.memory_space<vmem>>) offsets(%dma_start3A_8 : memref<128xi32, #tpu.memory_space<vmem>>) semaphore(%arg7 : memref<!tpu.dma_semaphore, #tpu.memory_space<semaphore_mem>>)
    %multiple_of3A_12 = arith.constant 128 : i32
    %multiple_of3A_13 = tpu.assume_multiple %multiple_of3A_12, 128 : i32
    %dma_start3A_14 = arith.constant 1 : i32
    %dma_start3A_15 = arith.constant 0 : i32
    %dma_start3A_16 = arith.constant 0 : i32
    %dma_start3A_17 = tpu.memref_slice %arg6[%dma_start3A_14, %dma_start3A_15, %dma_start3A_16] : memref<5x128x64xf32, #tpu.memory_space<vmem>> -> memref<1x128x64xf32, #tpu.memory_space<vmem>>
    %dma_start3A_18 = tpu.memref_squeeze %dma_start3A_17 : memref<1x128x64xf32, #tpu.memory_space<vmem>> -> memref<128x64xf32, #tpu.memory_space<vmem>>
    %dma_start3A_19 = tpu.memref_slice %arg5[%multiple_of3A_13] : memref<6400xi32, #tpu.memory_space<vmem>> -> memref<128xi32, #tpu.memory_space<vmem>>
    %dma_start3A_20 = arith.constant 0 : i32
    %dma_start3A_21 = arith.constant 0 : i32
    %dma_start3A_22 = tpu.memref_slice %arg3[%dma_start3A_20, %dma_start3A_21] : memref<1000000x64xf32, #tpu.memory_space<hbm>> -> memref<1000000x64xf32, #tpu.memory_space<hbm>>
    tpu.enqueue_indirect_dma source(%dma_start3A_22 : memref<1000000x64xf32, #tpu.memory_space<hbm>>) target(%dma_start3A_18 : memref<128x64xf32, #tpu.memory_space<vmem>>) offsets(%dma_start3A_19 : memref<128xi32, #tpu.memory_space<vmem>>) semaphore(%arg8 : memref<!tpu.dma_semaphore, #tpu.memory_space<semaphore_mem>>)
    %multiple_of3A_23 = arith.constant 256 : i32
    %multiple_of3A_24 = tpu.assume_multiple %multiple_of3A_23, 128 : i32
    %dma_start3A_25 = arith.constant 2 : i32
    %dma_start3A_26 = arith.constant 0 : i32
    %dma_start3A_27 = arith.constant 0 : i32
    %dma_start3A_28 = tpu.memref_slice %arg6[%dma_start3A_25, %dma_start3A_26, %dma_start3A_27] : memref<5x128x64xf32, #tpu.memory_space<vmem>> -> memref<1x128x64xf32, #tpu.memory_space<vmem>>
    %dma_start3A_29 = tpu.memref_squeeze %dma_start3A_28 : memref<1x128x64xf32, #tpu.memory_space<vmem>> -> memref<128x64xf32, #tpu.memory_space<vmem>>
    %dma_start3A_30 = tpu.memref_slice %arg5[%multiple_of3A_24] : memref<6400xi32, #tpu.memory_space<vmem>> -> memref<128xi32, #tpu.memory_space<vmem>>
    %dma_start3A_31 = arith.constant 0 : i32
    %dma_start3A_32 = arith.constant 0 : i32
    %dma_start3A_33 = tpu.memref_slice %arg3[%dma_start3A_31, %dma_start3A_32] : memref<1000000x64xf32, #tpu.memory_space<hbm>> -> memref<1000000x64xf32, #tpu.memory_space<hbm>>
    tpu.enqueue_indirect_dma source(%dma_start3A_33 : memref<1000000x64xf32, #tpu.memory_space<hbm>>) target(%dma_start3A_29 : memref<128x64xf32, #tpu.memory_space<vmem>>) offsets(%dma_start3A_30 : memref<128xi32, #tpu.memory_space<vmem>>) semaphore(%arg9 : memref<!tpu.dma_semaphore, #tpu.memory_space<semaphore_mem>>)
    %multiple_of3A_34 = arith.constant 384 : i32
    %multiple_of3A_35 = tpu.assume_multiple %multiple_of3A_34, 128 : i32
    %dma_start3A_36 = arith.constant 3 : i32
    %dma_start3A_37 = arith.constant 0 : i32
    %dma_start3A_38 = arith.constant 0 : i32
    %dma_start3A_39 = tpu.memref_slice %arg6[%dma_start3A_36, %dma_start3A_37, %dma_start3A_38] : memref<5x128x64xf32, #tpu.memory_space<vmem>> -> memref<1x128x64xf32, #tpu.memory_space<vmem>>
    %dma_start3A_40 = tpu.memref_squeeze %dma_start3A_39 : memref<1x128x64xf32, #tpu.memory_space<vmem>> -> memref<128x64xf32, #tpu.memory_space<vmem>>
    %dma_start3A_41 = tpu.memref_slice %arg5[%multiple_of3A_35] : memref<6400xi32, #tpu.memory_space<vmem>> -> memref<128xi32, #tpu.memory_space<vmem>>
    %dma_start3A_42 = arith.constant 0 : i32
    %dma_start3A_43 = arith.constant 0 : i32
    %dma_start3A_44 = tpu.memref_slice %arg3[%dma_start3A_42, %dma_start3A_43] : memref<1000000x64xf32, #tpu.memory_space<hbm>> -> memref<1000000x64xf32, #tpu.memory_space<hbm>>
    tpu.enqueue_indirect_dma source(%dma_start3A_44 : memref<1000000x64xf32, #tpu.memory_space<hbm>>) target(%dma_start3A_40 : memref<128x64xf32, #tpu.memory_space<vmem>>) offsets(%dma_start3A_41 : memref<128xi32, #tpu.memory_space<vmem>>) semaphore(%arg10 : memref<!tpu.dma_semaphore, #tpu.memory_space<semaphore_mem>>)
    %multiple_of3A_45 = arith.constant 512 : i32
    %multiple_of3A_46 = tpu.assume_multiple %multiple_of3A_45, 128 : i32
    %dma_start3A_47 = arith.constant 4 : i32
    %dma_start3A_48 = arith.constant 0 : i32
    %dma_start3A_49 = arith.constant 0 : i32
    %dma_start3A_50 = tpu.memref_slice %arg6[%dma_start3A_47, %dma_start3A_48, %dma_start3A_49] : memref<5x128x64xf32, #tpu.memory_space<vmem>> -> memref<1x128x64xf32, #tpu.memory_space<vmem>>
    %dma_start3A_51 = tpu.memref_squeeze %dma_start3A_50 : memref<1x128x64xf32, #tpu.memory_space<vmem>> -> memref<128x64xf32, #tpu.memory_space<vmem>>
    %dma_start3A_52 = tpu.memref_slice %arg5[%multiple_of3A_46] : memref<6400xi32, #tpu.memory_space<vmem>> -> memref<128xi32, #tpu.memory_space<vmem>>
    %dma_start3A_53 = arith.constant 0 : i32
    %dma_start3A_54 = arith.constant 0 : i32
    %dma_start3A_55 = tpu.memref_slice %arg3[%dma_start3A_53, %dma_start3A_54] : memref<1000000x64xf32, #tpu.memory_space<hbm>> -> memref<1000000x64xf32, #tpu.memory_space<hbm>>
    tpu.enqueue_indirect_dma source(%dma_start3A_55 : memref<1000000x64xf32, #tpu.memory_space<hbm>>) target(%dma_start3A_51 : memref<128x64xf32, #tpu.memory_space<vmem>>) offsets(%dma_start3A_52 : memref<128xi32, #tpu.memory_space<vmem>>) semaphore(%arg11 : memref<!tpu.dma_semaphore, #tpu.memory_space<semaphore_mem>>)
    %scan3A = arith.constant 0 : i32
    %scan3A_56 = arith.constant 0 : i32
    %scan3A_57 = arith.constant 10 : i32
    %scan3A_58 = arith.addi %scan3A_56, %scan3A_57 : i32
    %scan3A_59 = arith.constant 1 : i32
    scf.for %scan3A_61 = %scan3A_56 to %scan3A_58 step %scan3A_59  : i32 {
      %mul3A_62 = arith.constant 5 : i32
      %mul3A_63 = arith.muli %scan3A_61, %mul3A_62 : i32
      %add3A_64 = arith.constant 0 : i32
      %add3A_65 = arith.addi %mul3A_63, %add3A_64 : i32
      %mul3A_66 = arith.constant 128 : i32
      %mul3A_67 = arith.muli %add3A_65, %mul3A_66 : i32
      %multiple_of3A_68 = tpu.assume_multiple %mul3A_67, 128 : i32
      %dma_wait3A = arith.constant 0 : i32
      %dma_wait3A_69 = arith.constant 0 : i32
      %dma_wait3A_70 = arith.constant 0 : i32
      %dma_wait3A_71 = tpu.memref_slice %arg6[%dma_wait3A, %dma_wait3A_69, %dma_wait3A_70] : memref<5x128x64xf32, #tpu.memory_space<vmem>> -> memref<1x128x64xf32, #tpu.memory_space<vmem>>
      %dma_wait3A_72 = tpu.memref_squeeze %dma_wait3A_71 : memref<1x128x64xf32, #tpu.memory_space<vmem>> -> memref<128x64xf32, #tpu.memory_space<vmem>>
      %dma_wait3A_73 = tpu.memref_slice %arg5[%multiple_of3A_68] : memref<6400xi32, #tpu.memory_space<vmem>> -> memref<128xi32, #tpu.memory_space<vmem>>
      %dma_wait3A_74 = arith.constant 0 : i32
      %dma_wait3A_75 = arith.constant 0 : i32
      %dma_wait3A_76 = tpu.memref_slice %arg3[%dma_wait3A_74, %dma_wait3A_75] : memref<1000000x64xf32, #tpu.memory_space<hbm>> -> memref<1000000x64xf32, #tpu.memory_space<hbm>>
      tpu.wait_indirect_dma semaphore(%arg7 : memref<!tpu.dma_semaphore, #tpu.memory_space<semaphore_mem>>) src(%dma_wait3A_76 : memref<1000000x64xf32, #tpu.memory_space<hbm>>) dst(%dma_wait3A_72 : memref<128x64xf32, #tpu.memory_space<vmem>>)
      %add3A_77 = arith.addi %mul3A_2, %multiple_of3A_68 : i32
      %run_scoped3A = arith.constant 0 : i32
      "tpu.region"() ({
        %run_scoped3A_182 = tpu.sem_alloc : memref<!tpu.dma_semaphore, #tpu.memory_space<semaphore_mem>>
        %dma_start3A_183 = arith.constant 0 : i32
        %dma_start3A_184 = arith.constant 0 : i32
        %dma_start3A_185 = tpu.memref_slice %arg6[%run_scoped3A, %dma_start3A_183, %dma_start3A_184] : memref<5x128x64xf32, #tpu.memory_space<vmem>> -> memref<1x128x64xf32, #tpu.memory_space<vmem>>
        %dma_start3A_186 = tpu.memref_squeeze %dma_start3A_185 : memref<1x128x64xf32, #tpu.memory_space<vmem>> -> memref<128x64xf32, #tpu.memory_space<vmem>>
        %dma_start3A_187 = arith.constant 0 : i32
        %dma_start3A_188 = tpu.memref_slice %arg4[%add3A_77, %dma_start3A_187] : memref<204800x64xf32, #tpu.memory_space<hbm>> -> memref<128x64xf32, #tpu.memory_space<hbm>>
        %dma_start3A_189 = arith.constant 0 : i32
        %dma_start3A_190 = tpu.memref_slice %arg4[%add3A_77, %dma_start3A_189] : memref<204800x64xf32, #tpu.memory_space<hbm>> -> memref<128x64xf32, #tpu.memory_space<hbm>>
        %dma_start3A_191 = arith.constant 0 : i32
        %dma_start3A_192 = arith.constant 0 : i32
        %dma_start3A_193 = tpu.memref_slice %arg6[%run_scoped3A, %dma_start3A_191, %dma_start3A_192] : memref<5x128x64xf32, #tpu.memory_space<vmem>> -> memref<1x128x64xf32, #tpu.memory_space<vmem>>
        %dma_start3A_194 = tpu.memref_squeeze %dma_start3A_193 : memref<1x128x64xf32, #tpu.memory_space<vmem>> -> memref<128x64xf32, #tpu.memory_space<vmem>>
        tpu.enqueue_dma source(%dma_start3A_194 : memref<128x64xf32, #tpu.memory_space<vmem>>) target(%dma_start3A_190 : memref<128x64xf32, #tpu.memory_space<hbm>>) target_semaphore(%run_scoped3A_182 : memref<!tpu.dma_semaphore, #tpu.memory_space<semaphore_mem>>)
        %dma_wait3A_195 = arith.constant 0 : i32
        %dma_wait3A_196 = arith.constant 0 : i32
        %dma_wait3A_197 = tpu.memref_slice %arg6[%run_scoped3A, %dma_wait3A_195, %dma_wait3A_196] : memref<5x128x64xf32, #tpu.memory_space<vmem>> -> memref<1x128x64xf32, #tpu.memory_space<vmem>>
        %dma_wait3A_198 = tpu.memref_squeeze %dma_wait3A_197 : memref<1x128x64xf32, #tpu.memory_space<vmem>> -> memref<128x64xf32, #tpu.memory_space<vmem>>
        %dma_wait3A_199 = arith.constant 0 : i32
        %dma_wait3A_200 = tpu.memref_slice %arg4[%add3A_77, %dma_wait3A_199] : memref<204800x64xf32, #tpu.memory_space<hbm>> -> memref<128x64xf32, #tpu.memory_space<hbm>>
        %dma_wait3A_201 = arith.constant 0 : i32
        %dma_wait3A_202 = tpu.memref_slice %arg4[%add3A_77, %dma_wait3A_201] : memref<204800x64xf32, #tpu.memory_space<hbm>> -> memref<128x64xf32, #tpu.memory_space<hbm>>
        %dma_wait3A_203 = arith.constant 0 : i32
        %dma_wait3A_204 = arith.constant 0 : i32
        %dma_wait3A_205 = tpu.memref_slice %arg6[%run_scoped3A, %dma_wait3A_203, %dma_wait3A_204] : memref<5x128x64xf32, #tpu.memory_space<vmem>> -> memref<1x128x64xf32, #tpu.memory_space<vmem>>
        %dma_wait3A_206 = tpu.memref_squeeze %dma_wait3A_205 : memref<1x128x64xf32, #tpu.memory_space<vmem>> -> memref<128x64xf32, #tpu.memory_space<vmem>>
        tpu.wait_dma2 semaphore(%run_scoped3A_182 : memref<!tpu.dma_semaphore, #tpu.memory_space<semaphore_mem>>) src(%dma_wait3A_206 : memref<128x64xf32, #tpu.memory_space<vmem>>) dst(%dma_wait3A_202 : memref<128x64xf32, #tpu.memory_space<hbm>>)
        tpu.yield
      }) : () -> ()
      %add3A_78 = arith.constant 5 : i32
      %add3A_79 = arith.addi %add3A_65, %add3A_78 : i32
      %lt3A = arith.constant 50 : i32
      %lt3A_80 = arith.cmpi slt, %add3A_79, %lt3A : i32
      %convert_element_type3A = arith.extui %lt3A_80 : i1 to i32
      %cond3A = arith.constant 0 : i32
      %cond3A_81 = arith.cmpi ne, %convert_element_type3A, %cond3A : i32
      scf.if %cond3A_81 {
        %mul3A_182 = arith.constant 128 : i32
        %mul3A_183 = arith.muli %add3A_79, %mul3A_182 : i32
        %multiple_of3A_184 = tpu.assume_multiple %mul3A_183, 128 : i32
        %dma_start3A_185 = arith.constant 0 : i32
        %dma_start3A_186 = arith.constant 0 : i32
        %dma_start3A_187 = arith.constant 0 : i32
        %dma_start3A_188 = tpu.memref_slice %arg6[%dma_start3A_185, %dma_start3A_186, %dma_start3A_187] : memref<5x128x64xf32, #tpu.memory_space<vmem>> -> memref<1x128x64xf32, #tpu.memory_space<vmem>>
        %dma_start3A_189 = tpu.memref_squeeze %dma_start3A_188 : memref<1x128x64xf32, #tpu.memory_space<vmem>> -> memref<128x64xf32, #tpu.memory_space<vmem>>
        %dma_start3A_190 = tpu.memref_slice %arg5[%multiple_of3A_184] : memref<6400xi32, #tpu.memory_space<vmem>> -> memref<128xi32, #tpu.memory_space<vmem>>
        %dma_start3A_191 = arith.constant 0 : i32
        %dma_start3A_192 = arith.constant 0 : i32
        %dma_start3A_193 = tpu.memref_slice %arg3[%dma_start3A_191, %dma_start3A_192] : memref<1000000x64xf32, #tpu.memory_space<hbm>> -> memref<1000000x64xf32, #tpu.memory_space<hbm>>
        tpu.enqueue_indirect_dma source(%dma_start3A_193 : memref<1000000x64xf32, #tpu.memory_space<hbm>>) target(%dma_start3A_189 : memref<128x64xf32, #tpu.memory_space<vmem>>) offsets(%dma_start3A_190 : memref<128xi32, #tpu.memory_space<vmem>>) semaphore(%arg7 : memref<!tpu.dma_semaphore, #tpu.memory_space<semaphore_mem>>)
      } else {
      }
      %mul3A_82 = arith.constant 5 : i32
      %mul3A_83 = arith.muli %scan3A_61, %mul3A_82 : i32
      %add3A_84 = arith.constant 1 : i32
      %add3A_85 = arith.addi %mul3A_83, %add3A_84 : i32
      %mul3A_86 = arith.constant 128 : i32
      %mul3A_87 = arith.muli %add3A_85, %mul3A_86 : i32
      %multiple_of3A_88 = tpu.assume_multiple %mul3A_87, 128 : i32
      %dma_wait3A_89 = arith.constant 1 : i32
      %dma_wait3A_90 = arith.constant 0 : i32
      %dma_wait3A_91 = arith.constant 0 : i32
      %dma_wait3A_92 = tpu.memref_slice %arg6[%dma_wait3A_89, %dma_wait3A_90, %dma_wait3A_91] : memref<5x128x64xf32, #tpu.memory_space<vmem>> -> memref<1x128x64xf32, #tpu.memory_space<vmem>>
      %dma_wait3A_93 = tpu.memref_squeeze %dma_wait3A_92 : memref<1x128x64xf32, #tpu.memory_space<vmem>> -> memref<128x64xf32, #tpu.memory_space<vmem>>
      %dma_wait3A_94 = tpu.memref_slice %arg5[%multiple_of3A_88] : memref<6400xi32, #tpu.memory_space<vmem>> -> memref<128xi32, #tpu.memory_space<vmem>>
      %dma_wait3A_95 = arith.constant 0 : i32
      %dma_wait3A_96 = arith.constant 0 : i32
      %dma_wait3A_97 = tpu.memref_slice %arg3[%dma_wait3A_95, %dma_wait3A_96] : memref<1000000x64xf32, #tpu.memory_space<hbm>> -> memref<1000000x64xf32, #tpu.memory_space<hbm>>
      tpu.wait_indirect_dma semaphore(%arg8 : memref<!tpu.dma_semaphore, #tpu.memory_space<semaphore_mem>>) src(%dma_wait3A_97 : memref<1000000x64xf32, #tpu.memory_space<hbm>>) dst(%dma_wait3A_93 : memref<128x64xf32, #tpu.memory_space<vmem>>)
      %add3A_98 = arith.addi %mul3A_2, %multiple_of3A_88 : i32
      %run_scoped3A_99 = arith.constant 1 : i32
      "tpu.region"() ({
        %run_scoped3A_182 = tpu.sem_alloc : memref<!tpu.dma_semaphore, #tpu.memory_space<semaphore_mem>>
        %dma_start3A_183 = arith.constant 0 : i32
        %dma_start3A_184 = arith.constant 0 : i32
        %dma_start3A_185 = tpu.memref_slice %arg6[%run_scoped3A_99, %dma_start3A_183, %dma_start3A_184] : memref<5x128x64xf32, #tpu.memory_space<vmem>> -> memref<1x128x64xf32, #tpu.memory_space<vmem>>
        %dma_start3A_186 = tpu.memref_squeeze %dma_start3A_185 : memref<1x128x64xf32, #tpu.memory_space<vmem>> -> memref<128x64xf32, #tpu.memory_space<vmem>>
        %dma_start3A_187 = arith.constant 0 : i32
        %dma_start3A_188 = tpu.memref_slice %arg4[%add3A_98, %dma_start3A_187] : memref<204800x64xf32, #tpu.memory_space<hbm>> -> memref<128x64xf32, #tpu.memory_space<hbm>>
        %dma_start3A_189 = arith.constant 0 : i32
        %dma_start3A_190 = tpu.memref_slice %arg4[%add3A_98, %dma_start3A_189] : memref<204800x64xf32, #tpu.memory_space<hbm>> -> memref<128x64xf32, #tpu.memory_space<hbm>>
        %dma_start3A_191 = arith.constant 0 : i32
        %dma_start3A_192 = arith.constant 0 : i32
        %dma_start3A_193 = tpu.memref_slice %arg6[%run_scoped3A_99, %dma_start3A_191, %dma_start3A_192] : memref<5x128x64xf32, #tpu.memory_space<vmem>> -> memref<1x128x64xf32, #tpu.memory_space<vmem>>
        %dma_start3A_194 = tpu.memref_squeeze %dma_start3A_193 : memref<1x128x64xf32, #tpu.memory_space<vmem>> -> memref<128x64xf32, #tpu.memory_space<vmem>>
        tpu.enqueue_dma source(%dma_start3A_194 : memref<128x64xf32, #tpu.memory_space<vmem>>) target(%dma_start3A_190 : memref<128x64xf32, #tpu.memory_space<hbm>>) target_semaphore(%run_scoped3A_182 : memref<!tpu.dma_semaphore, #tpu.memory_space<semaphore_mem>>)
        %dma_wait3A_195 = arith.constant 0 : i32
        %dma_wait3A_196 = arith.constant 0 : i32
        %dma_wait3A_197 = tpu.memref_slice %arg6[%run_scoped3A_99, %dma_wait3A_195, %dma_wait3A_196] : memref<5x128x64xf32, #tpu.memory_space<vmem>> -> memref<1x128x64xf32, #tpu.memory_space<vmem>>
        %dma_wait3A_198 = tpu.memref_squeeze %dma_wait3A_197 : memref<1x128x64xf32, #tpu.memory_space<vmem>> -> memref<128x64xf32, #tpu.memory_space<vmem>>
        %dma_wait3A_199 = arith.constant 0 : i32
        %dma_wait3A_200 = tpu.memref_slice %arg4[%add3A_98, %dma_wait3A_199] : memref<204800x64xf32, #tpu.memory_space<hbm>> -> memref<128x64xf32, #tpu.memory_space<hbm>>
        %dma_wait3A_201 = arith.constant 0 : i32
        %dma_wait3A_202 = tpu.memref_slice %arg4[%add3A_98, %dma_wait3A_201] : memref<204800x64xf32, #tpu.memory_space<hbm>> -> memref<128x64xf32, #tpu.memory_space<hbm>>
        %dma_wait3A_203 = arith.constant 0 : i32
        %dma_wait3A_204 = arith.constant 0 : i32
        %dma_wait3A_205 = tpu.memref_slice %arg6[%run_scoped3A_99, %dma_wait3A_203, %dma_wait3A_204] : memref<5x128x64xf32, #tpu.memory_space<vmem>> -> memref<1x128x64xf32, #tpu.memory_space<vmem>>
        %dma_wait3A_206 = tpu.memref_squeeze %dma_wait3A_205 : memref<1x128x64xf32, #tpu.memory_space<vmem>> -> memref<128x64xf32, #tpu.memory_space<vmem>>
        tpu.wait_dma2 semaphore(%run_scoped3A_182 : memref<!tpu.dma_semaphore, #tpu.memory_space<semaphore_mem>>) src(%dma_wait3A_206 : memref<128x64xf32, #tpu.memory_space<vmem>>) dst(%dma_wait3A_202 : memref<128x64xf32, #tpu.memory_space<hbm>>)
        tpu.yield
      }) : () -> ()
      %add3A_100 = arith.constant 5 : i32
      %add3A_101 = arith.addi %add3A_85, %add3A_100 : i32
      %lt3A_102 = arith.constant 50 : i32
      %lt3A_103 = arith.cmpi slt, %add3A_101, %lt3A_102 : i32
      %convert_element_type3A_104 = arith.extui %lt3A_103 : i1 to i32
      %cond3A_105 = arith.constant 0 : i32
      %cond3A_106 = arith.cmpi ne, %convert_element_type3A_104, %cond3A_105 : i32
      scf.if %cond3A_106 {
        %mul3A_182 = arith.constant 128 : i32
        %mul3A_183 = arith.muli %add3A_101, %mul3A_182 : i32
        %multiple_of3A_184 = tpu.assume_multiple %mul3A_183, 128 : i32
        %dma_start3A_185 = arith.constant 1 : i32
        %dma_start3A_186 = arith.constant 0 : i32
        %dma_start3A_187 = arith.constant 0 : i32
        %dma_start3A_188 = tpu.memref_slice %arg6[%dma_start3A_185, %dma_start3A_186, %dma_start3A_187] : memref<5x128x64xf32, #tpu.memory_space<vmem>> -> memref<1x128x64xf32, #tpu.memory_space<vmem>>
        %dma_start3A_189 = tpu.memref_squeeze %dma_start3A_188 : memref<1x128x64xf32, #tpu.memory_space<vmem>> -> memref<128x64xf32, #tpu.memory_space<vmem>>
        %dma_start3A_190 = tpu.memref_slice %arg5[%multiple_of3A_184] : memref<6400xi32, #tpu.memory_space<vmem>> -> memref<128xi32, #tpu.memory_space<vmem>>
        %dma_start3A_191 = arith.constant 0 : i32
        %dma_start3A_192 = arith.constant 0 : i32
        %dma_start3A_193 = tpu.memref_slice %arg3[%dma_start3A_191, %dma_start3A_192] : memref<1000000x64xf32, #tpu.memory_space<hbm>> -> memref<1000000x64xf32, #tpu.memory_space<hbm>>
        tpu.enqueue_indirect_dma source(%dma_start3A_193 : memref<1000000x64xf32, #tpu.memory_space<hbm>>) target(%dma_start3A_189 : memref<128x64xf32, #tpu.memory_space<vmem>>) offsets(%dma_start3A_190 : memref<128xi32, #tpu.memory_space<vmem>>) semaphore(%arg8 : memref<!tpu.dma_semaphore, #tpu.memory_space<semaphore_mem>>)
      } else {
      }
      %mul3A_107 = arith.constant 5 : i32
      %mul3A_108 = arith.muli %scan3A_61, %mul3A_107 : i32
      %add3A_109 = arith.constant 2 : i32
      %add3A_110 = arith.addi %mul3A_108, %add3A_109 : i32
      %mul3A_111 = arith.constant 128 : i32
      %mul3A_112 = arith.muli %add3A_110, %mul3A_111 : i32
      %multiple_of3A_113 = tpu.assume_multiple %mul3A_112, 128 : i32
      %dma_wait3A_114 = arith.constant 2 : i32
      %dma_wait3A_115 = arith.constant 0 : i32
      %dma_wait3A_116 = arith.constant 0 : i32
      %dma_wait3A_117 = tpu.memref_slice %arg6[%dma_wait3A_114, %dma_wait3A_115, %dma_wait3A_116] : memref<5x128x64xf32, #tpu.memory_space<vmem>> -> memref<1x128x64xf32, #tpu.memory_space<vmem>>
      %dma_wait3A_118 = tpu.memref_squeeze %dma_wait3A_117 : memref<1x128x64xf32, #tpu.memory_space<vmem>> -> memref<128x64xf32, #tpu.memory_space<vmem>>
      %dma_wait3A_119 = tpu.memref_slice %arg5[%multiple_of3A_113] : memref<6400xi32, #tpu.memory_space<vmem>> -> memref<128xi32, #tpu.memory_space<vmem>>
      %dma_wait3A_120 = arith.constant 0 : i32
      %dma_wait3A_121 = arith.constant 0 : i32
      %dma_wait3A_122 = tpu.memref_slice %arg3[%dma_wait3A_120, %dma_wait3A_121] : memref<1000000x64xf32, #tpu.memory_space<hbm>> -> memref<1000000x64xf32, #tpu.memory_space<hbm>>
      tpu.wait_indirect_dma semaphore(%arg9 : memref<!tpu.dma_semaphore, #tpu.memory_space<semaphore_mem>>) src(%dma_wait3A_122 : memref<1000000x64xf32, #tpu.memory_space<hbm>>) dst(%dma_wait3A_118 : memref<128x64xf32, #tpu.memory_space<vmem>>)
      %add3A_123 = arith.addi %mul3A_2, %multiple_of3A_113 : i32
      %run_scoped3A_124 = arith.constant 2 : i32
      "tpu.region"() ({
        %run_scoped3A_182 = tpu.sem_alloc : memref<!tpu.dma_semaphore, #tpu.memory_space<semaphore_mem>>
        %dma_start3A_183 = arith.constant 0 : i32
        %dma_start3A_184 = arith.constant 0 : i32
        %dma_start3A_185 = tpu.memref_slice %arg6[%run_scoped3A_124, %dma_start3A_183, %dma_start3A_184] : memref<5x128x64xf32, #tpu.memory_space<vmem>> -> memref<1x128x64xf32, #tpu.memory_space<vmem>>
        %dma_start3A_186 = tpu.memref_squeeze %dma_start3A_185 : memref<1x128x64xf32, #tpu.memory_space<vmem>> -> memref<128x64xf32, #tpu.memory_space<vmem>>
        %dma_start3A_187 = arith.constant 0 : i32
        %dma_start3A_188 = tpu.memref_slice %arg4[%add3A_123, %dma_start3A_187] : memref<204800x64xf32, #tpu.memory_space<hbm>> -> memref<128x64xf32, #tpu.memory_space<hbm>>
        %dma_start3A_189 = arith.constant 0 : i32
        %dma_start3A_190 = tpu.memref_slice %arg4[%add3A_123, %dma_start3A_189] : memref<204800x64xf32, #tpu.memory_space<hbm>> -> memref<128x64xf32, #tpu.memory_space<hbm>>
        %dma_start3A_191 = arith.constant 0 : i32
        %dma_start3A_192 = arith.constant 0 : i32
        %dma_start3A_193 = tpu.memref_slice %arg6[%run_scoped3A_124, %dma_start3A_191, %dma_start3A_192] : memref<5x128x64xf32, #tpu.memory_space<vmem>> -> memref<1x128x64xf32, #tpu.memory_space<vmem>>
        %dma_start3A_194 = tpu.memref_squeeze %dma_start3A_193 : memref<1x128x64xf32, #tpu.memory_space<vmem>> -> memref<128x64xf32, #tpu.memory_space<vmem>>
        tpu.enqueue_dma source(%dma_start3A_194 : memref<128x64xf32, #tpu.memory_space<vmem>>) target(%dma_start3A_190 : memref<128x64xf32, #tpu.memory_space<hbm>>) target_semaphore(%run_scoped3A_182 : memref<!tpu.dma_semaphore, #tpu.memory_space<semaphore_mem>>)
        %dma_wait3A_195 = arith.constant 0 : i32
        %dma_wait3A_196 = arith.constant 0 : i32
        %dma_wait3A_197 = tpu.memref_slice %arg6[%run_scoped3A_124, %dma_wait3A_195, %dma_wait3A_196] : memref<5x128x64xf32, #tpu.memory_space<vmem>> -> memref<1x128x64xf32, #tpu.memory_space<vmem>>
        %dma_wait3A_198 = tpu.memref_squeeze %dma_wait3A_197 : memref<1x128x64xf32, #tpu.memory_space<vmem>> -> memref<128x64xf32, #tpu.memory_space<vmem>>
        %dma_wait3A_199 = arith.constant 0 : i32
        %dma_wait3A_200 = tpu.memref_slice %arg4[%add3A_123, %dma_wait3A_199] : memref<204800x64xf32, #tpu.memory_space<hbm>> -> memref<128x64xf32, #tpu.memory_space<hbm>>
        %dma_wait3A_201 = arith.constant 0 : i32
        %dma_wait3A_202 = tpu.memref_slice %arg4[%add3A_123, %dma_wait3A_201] : memref<204800x64xf32, #tpu.memory_space<hbm>> -> memref<128x64xf32, #tpu.memory_space<hbm>>
        %dma_wait3A_203 = arith.constant 0 : i32
        %dma_wait3A_204 = arith.constant 0 : i32
        %dma_wait3A_205 = tpu.memref_slice %arg6[%run_scoped3A_124, %dma_wait3A_203, %dma_wait3A_204] : memref<5x128x64xf32, #tpu.memory_space<vmem>> -> memref<1x128x64xf32, #tpu.memory_space<vmem>>
        %dma_wait3A_206 = tpu.memref_squeeze %dma_wait3A_205 : memref<1x128x64xf32, #tpu.memory_space<vmem>> -> memref<128x64xf32, #tpu.memory_space<vmem>>
        tpu.wait_dma2 semaphore(%run_scoped3A_182 : memref<!tpu.dma_semaphore, #tpu.memory_space<semaphore_mem>>) src(%dma_wait3A_206 : memref<128x64xf32, #tpu.memory_space<vmem>>) dst(%dma_wait3A_202 : memref<128x64xf32, #tpu.memory_space<hbm>>)
        tpu.yield
      }) : () -> ()
      %add3A_125 = arith.constant 5 : i32
      %add3A_126 = arith.addi %add3A_110, %add3A_125 : i32
      %lt3A_127 = arith.constant 50 : i32
      %lt3A_128 = arith.cmpi slt, %add3A_126, %lt3A_127 : i32
      %convert_element_type3A_129 = arith.extui %lt3A_128 : i1 to i32
      %cond3A_130 = arith.constant 0 : i32
      %cond3A_131 = arith.cmpi ne, %convert_element_type3A_129, %cond3A_130 : i32
      scf.if %cond3A_131 {
        %mul3A_182 = arith.constant 128 : i32
        %mul3A_183 = arith.muli %add3A_126, %mul3A_182 : i32
        %multiple_of3A_184 = tpu.assume_multiple %mul3A_183, 128 : i32
        %dma_start3A_185 = arith.constant 2 : i32
        %dma_start3A_186 = arith.constant 0 : i32
        %dma_start3A_187 = arith.constant 0 : i32
        %dma_start3A_188 = tpu.memref_slice %arg6[%dma_start3A_185, %dma_start3A_186, %dma_start3A_187] : memref<5x128x64xf32, #tpu.memory_space<vmem>> -> memref<1x128x64xf32, #tpu.memory_space<vmem>>
        %dma_start3A_189 = tpu.memref_squeeze %dma_start3A_188 : memref<1x128x64xf32, #tpu.memory_space<vmem>> -> memref<128x64xf32, #tpu.memory_space<vmem>>
        %dma_start3A_190 = tpu.memref_slice %arg5[%multiple_of3A_184] : memref<6400xi32, #tpu.memory_space<vmem>> -> memref<128xi32, #tpu.memory_space<vmem>>
        %dma_start3A_191 = arith.constant 0 : i32
        %dma_start3A_192 = arith.constant 0 : i32
        %dma_start3A_193 = tpu.memref_slice %arg3[%dma_start3A_191, %dma_start3A_192] : memref<1000000x64xf32, #tpu.memory_space<hbm>> -> memref<1000000x64xf32, #tpu.memory_space<hbm>>
        tpu.enqueue_indirect_dma source(%dma_start3A_193 : memref<1000000x64xf32, #tpu.memory_space<hbm>>) target(%dma_start3A_189 : memref<128x64xf32, #tpu.memory_space<vmem>>) offsets(%dma_start3A_190 : memref<128xi32, #tpu.memory_space<vmem>>) semaphore(%arg9 : memref<!tpu.dma_semaphore, #tpu.memory_space<semaphore_mem>>)
      } else {
      }
      %mul3A_132 = arith.constant 5 : i32
      %mul3A_133 = arith.muli %scan3A_61, %mul3A_132 : i32
      %add3A_134 = arith.constant 3 : i32
      %add3A_135 = arith.addi %mul3A_133, %add3A_134 : i32
      %mul3A_136 = arith.constant 128 : i32
      %mul3A_137 = arith.muli %add3A_135, %mul3A_136 : i32
      %multiple_of3A_138 = tpu.assume_multiple %mul3A_137, 128 : i32
      %dma_wait3A_139 = arith.constant 3 : i32
      %dma_wait3A_140 = arith.constant 0 : i32
      %dma_wait3A_141 = arith.constant 0 : i32
      %dma_wait3A_142 = tpu.memref_slice %arg6[%dma_wait3A_139, %dma_wait3A_140, %dma_wait3A_141] : memref<5x128x64xf32, #tpu.memory_space<vmem>> -> memref<1x128x64xf32, #tpu.memory_space<vmem>>
      %dma_wait3A_143 = tpu.memref_squeeze %dma_wait3A_142 : memref<1x128x64xf32, #tpu.memory_space<vmem>> -> memref<128x64xf32, #tpu.memory_space<vmem>>
      %dma_wait3A_144 = tpu.memref_slice %arg5[%multiple_of3A_138] : memref<6400xi32, #tpu.memory_space<vmem>> -> memref<128xi32, #tpu.memory_space<vmem>>
      %dma_wait3A_145 = arith.constant 0 : i32
      %dma_wait3A_146 = arith.constant 0 : i32
      %dma_wait3A_147 = tpu.memref_slice %arg3[%dma_wait3A_145, %dma_wait3A_146] : memref<1000000x64xf32, #tpu.memory_space<hbm>> -> memref<1000000x64xf32, #tpu.memory_space<hbm>>
      tpu.wait_indirect_dma semaphore(%arg10 : memref<!tpu.dma_semaphore, #tpu.memory_space<semaphore_mem>>) src(%dma_wait3A_147 : memref<1000000x64xf32, #tpu.memory_space<hbm>>) dst(%dma_wait3A_143 : memref<128x64xf32, #tpu.memory_space<vmem>>)
      %add3A_148 = arith.addi %mul3A_2, %multiple_of3A_138 : i32
      %run_scoped3A_149 = arith.constant 3 : i32
      "tpu.region"() ({
        %run_scoped3A_182 = tpu.sem_alloc : memref<!tpu.dma_semaphore, #tpu.memory_space<semaphore_mem>>
        %dma_start3A_183 = arith.constant 0 : i32
        %dma_start3A_184 = arith.constant 0 : i32
        %dma_start3A_185 = tpu.memref_slice %arg6[%run_scoped3A_149, %dma_start3A_183, %dma_start3A_184] : memref<5x128x64xf32, #tpu.memory_space<vmem>> -> memref<1x128x64xf32, #tpu.memory_space<vmem>>
        %dma_start3A_186 = tpu.memref_squeeze %dma_start3A_185 : memref<1x128x64xf32, #tpu.memory_space<vmem>> -> memref<128x64xf32, #tpu.memory_space<vmem>>
        %dma_start3A_187 = arith.constant 0 : i32
        %dma_start3A_188 = tpu.memref_slice %arg4[%add3A_148, %dma_start3A_187] : memref<204800x64xf32, #tpu.memory_space<hbm>> -> memref<128x64xf32, #tpu.memory_space<hbm>>
        %dma_start3A_189 = arith.constant 0 : i32
        %dma_start3A_190 = tpu.memref_slice %arg4[%add3A_148, %dma_start3A_189] : memref<204800x64xf32, #tpu.memory_space<hbm>> -> memref<128x64xf32, #tpu.memory_space<hbm>>
        %dma_start3A_191 = arith.constant 0 : i32
        %dma_start3A_192 = arith.constant 0 : i32
        %dma_start3A_193 = tpu.memref_slice %arg6[%run_scoped3A_149, %dma_start3A_191, %dma_start3A_192] : memref<5x128x64xf32, #tpu.memory_space<vmem>> -> memref<1x128x64xf32, #tpu.memory_space<vmem>>
        %dma_start3A_194 = tpu.memref_squeeze %dma_start3A_193 : memref<1x128x64xf32, #tpu.memory_space<vmem>> -> memref<128x64xf32, #tpu.memory_space<vmem>>
        tpu.enqueue_dma source(%dma_start3A_194 : memref<128x64xf32, #tpu.memory_space<vmem>>) target(%dma_start3A_190 : memref<128x64xf32, #tpu.memory_space<hbm>>) target_semaphore(%run_scoped3A_182 : memref<!tpu.dma_semaphore, #tpu.memory_space<semaphore_mem>>)
        %dma_wait3A_195 = arith.constant 0 : i32
        %dma_wait3A_196 = arith.constant 0 : i32
        %dma_wait3A_197 = tpu.memref_slice %arg6[%run_scoped3A_149, %dma_wait3A_195, %dma_wait3A_196] : memref<5x128x64xf32, #tpu.memory_space<vmem>> -> memref<1x128x64xf32, #tpu.memory_space<vmem>>
        %dma_wait3A_198 = tpu.memref_squeeze %dma_wait3A_197 : memref<1x128x64xf32, #tpu.memory_space<vmem>> -> memref<128x64xf32, #tpu.memory_space<vmem>>
        %dma_wait3A_199 = arith.constant 0 : i32
        %dma_wait3A_200 = tpu.memref_slice %arg4[%add3A_148, %dma_wait3A_199] : memref<204800x64xf32, #tpu.memory_space<hbm>> -> memref<128x64xf32, #tpu.memory_space<hbm>>
        %dma_wait3A_201 = arith.constant 0 : i32
        %dma_wait3A_202 = tpu.memref_slice %arg4[%add3A_148, %dma_wait3A_201] : memref<204800x64xf32, #tpu.memory_space<hbm>> -> memref<128x64xf32, #tpu.memory_space<hbm>>
        %dma_wait3A_203 = arith.constant 0 : i32
        %dma_wait3A_204 = arith.constant 0 : i32
        %dma_wait3A_205 = tpu.memref_slice %arg6[%run_scoped3A_149, %dma_wait3A_203, %dma_wait3A_204] : memref<5x128x64xf32, #tpu.memory_space<vmem>> -> memref<1x128x64xf32, #tpu.memory_space<vmem>>
        %dma_wait3A_206 = tpu.memref_squeeze %dma_wait3A_205 : memref<1x128x64xf32, #tpu.memory_space<vmem>> -> memref<128x64xf32, #tpu.memory_space<vmem>>
        tpu.wait_dma2 semaphore(%run_scoped3A_182 : memref<!tpu.dma_semaphore, #tpu.memory_space<semaphore_mem>>) src(%dma_wait3A_206 : memref<128x64xf32, #tpu.memory_space<vmem>>) dst(%dma_wait3A_202 : memref<128x64xf32, #tpu.memory_space<hbm>>)
        tpu.yield
      }) : () -> ()
      %add3A_150 = arith.constant 5 : i32
      %add3A_151 = arith.addi %add3A_135, %add3A_150 : i32
      %lt3A_152 = arith.constant 50 : i32
      %lt3A_153 = arith.cmpi slt, %add3A_151, %lt3A_152 : i32
      %convert_element_type3A_154 = arith.extui %lt3A_153 : i1 to i32
      %cond3A_155 = arith.constant 0 : i32
      %cond3A_156 = arith.cmpi ne, %convert_element_type3A_154, %cond3A_155 : i32
      scf.if %cond3A_156 {
        %mul3A_182 = arith.constant 128 : i32
        %mul3A_183 = arith.muli %add3A_151, %mul3A_182 : i32
        %multiple_of3A_184 = tpu.assume_multiple %mul3A_183, 128 : i32
        %dma_start3A_185 = arith.constant 3 : i32
        %dma_start3A_186 = arith.constant 0 : i32
        %dma_start3A_187 = arith.constant 0 : i32
        %dma_start3A_188 = tpu.memref_slice %arg6[%dma_start3A_185, %dma_start3A_186, %dma_start3A_187] : memref<5x128x64xf32, #tpu.memory_space<vmem>> -> memref<1x128x64xf32, #tpu.memory_space<vmem>>
        %dma_start3A_189 = tpu.memref_squeeze %dma_start3A_188 : memref<1x128x64xf32, #tpu.memory_space<vmem>> -> memref<128x64xf32, #tpu.memory_space<vmem>>
        %dma_start3A_190 = tpu.memref_slice %arg5[%multiple_of3A_184] : memref<6400xi32, #tpu.memory_space<vmem>> -> memref<128xi32, #tpu.memory_space<vmem>>
        %dma_start3A_191 = arith.constant 0 : i32
        %dma_start3A_192 = arith.constant 0 : i32
        %dma_start3A_193 = tpu.memref_slice %arg3[%dma_start3A_191, %dma_start3A_192] : memref<1000000x64xf32, #tpu.memory_space<hbm>> -> memref<1000000x64xf32, #tpu.memory_space<hbm>>
        tpu.enqueue_indirect_dma source(%dma_start3A_193 : memref<1000000x64xf32, #tpu.memory_space<hbm>>) target(%dma_start3A_189 : memref<128x64xf32, #tpu.memory_space<vmem>>) offsets(%dma_start3A_190 : memref<128xi32, #tpu.memory_space<vmem>>) semaphore(%arg10 : memref<!tpu.dma_semaphore, #tpu.memory_space<semaphore_mem>>)
      } else {
      }
      %mul3A_157 = arith.constant 5 : i32
      %mul3A_158 = arith.muli %scan3A_61, %mul3A_157 : i32
      %add3A_159 = arith.constant 4 : i32
      %add3A_160 = arith.addi %mul3A_158, %add3A_159 : i32
      %mul3A_161 = arith.constant 128 : i32
      %mul3A_162 = arith.muli %add3A_160, %mul3A_161 : i32
      %multiple_of3A_163 = tpu.assume_multiple %mul3A_162, 128 : i32
      %dma_wait3A_164 = arith.constant 4 : i32
      %dma_wait3A_165 = arith.constant 0 : i32
      %dma_wait3A_166 = arith.constant 0 : i32
      %dma_wait3A_167 = tpu.memref_slice %arg6[%dma_wait3A_164, %dma_wait3A_165, %dma_wait3A_166] : memref<5x128x64xf32, #tpu.memory_space<vmem>> -> memref<1x128x64xf32, #tpu.memory_space<vmem>>
      %dma_wait3A_168 = tpu.memref_squeeze %dma_wait3A_167 : memref<1x128x64xf32, #tpu.memory_space<vmem>> -> memref<128x64xf32, #tpu.memory_space<vmem>>
      %dma_wait3A_169 = tpu.memref_slice %arg5[%multiple_of3A_163] : memref<6400xi32, #tpu.memory_space<vmem>> -> memref<128xi32, #tpu.memory_space<vmem>>
      %dma_wait3A_170 = arith.constant 0 : i32
      %dma_wait3A_171 = arith.constant 0 : i32
      %dma_wait3A_172 = tpu.memref_slice %arg3[%dma_wait3A_170, %dma_wait3A_171] : memref<1000000x64xf32, #tpu.memory_space<hbm>> -> memref<1000000x64xf32, #tpu.memory_space<hbm>>
      tpu.wait_indirect_dma semaphore(%arg11 : memref<!tpu.dma_semaphore, #tpu.memory_space<semaphore_mem>>) src(%dma_wait3A_172 : memref<1000000x64xf32, #tpu.memory_space<hbm>>) dst(%dma_wait3A_168 : memref<128x64xf32, #tpu.memory_space<vmem>>)
      %add3A_173 = arith.addi %mul3A_2, %multiple_of3A_163 : i32
      %run_scoped3A_174 = arith.constant 4 : i32
      "tpu.region"() ({
        %run_scoped3A_182 = tpu.sem_alloc : memref<!tpu.dma_semaphore, #tpu.memory_space<semaphore_mem>>
        %dma_start3A_183 = arith.constant 0 : i32
        %dma_start3A_184 = arith.constant 0 : i32
        %dma_start3A_185 = tpu.memref_slice %arg6[%run_scoped3A_174, %dma_start3A_183, %dma_start3A_184] : memref<5x128x64xf32, #tpu.memory_space<vmem>> -> memref<1x128x64xf32, #tpu.memory_space<vmem>>
        %dma_start3A_186 = tpu.memref_squeeze %dma_start3A_185 : memref<1x128x64xf32, #tpu.memory_space<vmem>> -> memref<128x64xf32, #tpu.memory_space<vmem>>
        %dma_start3A_187 = arith.constant 0 : i32
        %dma_start3A_188 = tpu.memref_slice %arg4[%add3A_173, %dma_start3A_187] : memref<204800x64xf32, #tpu.memory_space<hbm>> -> memref<128x64xf32, #tpu.memory_space<hbm>>
        %dma_start3A_189 = arith.constant 0 : i32
        %dma_start3A_190 = tpu.memref_slice %arg4[%add3A_173, %dma_start3A_189] : memref<204800x64xf32, #tpu.memory_space<hbm>> -> memref<128x64xf32, #tpu.memory_space<hbm>>
        %dma_start3A_191 = arith.constant 0 : i32
        %dma_start3A_192 = arith.constant 0 : i32
        %dma_start3A_193 = tpu.memref_slice %arg6[%run_scoped3A_174, %dma_start3A_191, %dma_start3A_192] : memref<5x128x64xf32, #tpu.memory_space<vmem>> -> memref<1x128x64xf32, #tpu.memory_space<vmem>>
        %dma_start3A_194 = tpu.memref_squeeze %dma_start3A_193 : memref<1x128x64xf32, #tpu.memory_space<vmem>> -> memref<128x64xf32, #tpu.memory_space<vmem>>
        tpu.enqueue_dma source(%dma_start3A_194 : memref<128x64xf32, #tpu.memory_space<vmem>>) target(%dma_start3A_190 : memref<128x64xf32, #tpu.memory_space<hbm>>) target_semaphore(%run_scoped3A_182 : memref<!tpu.dma_semaphore, #tpu.memory_space<semaphore_mem>>)
        %dma_wait3A_195 = arith.constant 0 : i32
        %dma_wait3A_196 = arith.constant 0 : i32
        %dma_wait3A_197 = tpu.memref_slice %arg6[%run_scoped3A_174, %dma_wait3A_195, %dma_wait3A_196] : memref<5x128x64xf32, #tpu.memory_space<vmem>> -> memref<1x128x64xf32, #tpu.memory_space<vmem>>
        %dma_wait3A_198 = tpu.memref_squeeze %dma_wait3A_197 : memref<1x128x64xf32, #tpu.memory_space<vmem>> -> memref<128x64xf32, #tpu.memory_space<vmem>>
        %dma_wait3A_199 = arith.constant 0 : i32
        %dma_wait3A_200 = tpu.memref_slice %arg4[%add3A_173, %dma_wait3A_199] : memref<204800x64xf32, #tpu.memory_space<hbm>> -> memref<128x64xf32, #tpu.memory_space<hbm>>
        %dma_wait3A_201 = arith.constant 0 : i32
        %dma_wait3A_202 = tpu.memref_slice %arg4[%add3A_173, %dma_wait3A_201] : memref<204800x64xf32, #tpu.memory_space<hbm>> -> memref<128x64xf32, #tpu.memory_space<hbm>>
        %dma_wait3A_203 = arith.constant 0 : i32
        %dma_wait3A_204 = arith.constant 0 : i32
        %dma_wait3A_205 = tpu.memref_slice %arg6[%run_scoped3A_174, %dma_wait3A_203, %dma_wait3A_204] : memref<5x128x64xf32, #tpu.memory_space<vmem>> -> memref<1x128x64xf32, #tpu.memory_space<vmem>>
        %dma_wait3A_206 = tpu.memref_squeeze %dma_wait3A_205 : memref<1x128x64xf32, #tpu.memory_space<vmem>> -> memref<128x64xf32, #tpu.memory_space<vmem>>
        tpu.wait_dma2 semaphore(%run_scoped3A_182 : memref<!tpu.dma_semaphore, #tpu.memory_space<semaphore_mem>>) src(%dma_wait3A_206 : memref<128x64xf32, #tpu.memory_space<vmem>>) dst(%dma_wait3A_202 : memref<128x64xf32, #tpu.memory_space<hbm>>)
        tpu.yield
      }) : () -> ()
      %add3A_175 = arith.constant 5 : i32
      %add3A_176 = arith.addi %add3A_160, %add3A_175 : i32
      %lt3A_177 = arith.constant 50 : i32
      %lt3A_178 = arith.cmpi slt, %add3A_176, %lt3A_177 : i32
      %convert_element_type3A_179 = arith.extui %lt3A_178 : i1 to i32
      %cond3A_180 = arith.constant 0 : i32
      %cond3A_181 = arith.cmpi ne, %convert_element_type3A_179, %cond3A_180 : i32
      scf.if %cond3A_181 {
        %mul3A_182 = arith.constant 128 : i32
        %mul3A_183 = arith.muli %add3A_176, %mul3A_182 : i32
        %multiple_of3A_184 = tpu.assume_multiple %mul3A_183, 128 : i32
        %dma_start3A_185 = arith.constant 4 : i32
        %dma_start3A_186 = arith.constant 0 : i32
        %dma_start3A_187 = arith.constant 0 : i32
        %dma_start3A_188 = tpu.memref_slice %arg6[%dma_start3A_185, %dma_start3A_186, %dma_start3A_187] : memref<5x128x64xf32, #tpu.memory_space<vmem>> -> memref<1x128x64xf32, #tpu.memory_space<vmem>>
        %dma_start3A_189 = tpu.memref_squeeze %dma_start3A_188 : memref<1x128x64xf32, #tpu.memory_space<vmem>> -> memref<128x64xf32, #tpu.memory_space<vmem>>
        %dma_start3A_190 = tpu.memref_slice %arg5[%multiple_of3A_184] : memref<6400xi32, #tpu.memory_space<vmem>> -> memref<128xi32, #tpu.memory_space<vmem>>
        %dma_start3A_191 = arith.constant 0 : i32
        %dma_start3A_192 = arith.constant 0 : i32
        %dma_start3A_193 = tpu.memref_slice %arg3[%dma_start3A_191, %dma_start3A_192] : memref<1000000x64xf32, #tpu.memory_space<hbm>> -> memref<1000000x64xf32, #tpu.memory_space<hbm>>
        tpu.enqueue_indirect_dma source(%dma_start3A_193 : memref<1000000x64xf32, #tpu.memory_space<hbm>>) target(%dma_start3A_189 : memref<128x64xf32, #tpu.memory_space<vmem>>) offsets(%dma_start3A_190 : memref<128xi32, #tpu.memory_space<vmem>>) semaphore(%arg11 : memref<!tpu.dma_semaphore, #tpu.memory_space<semaphore_mem>>)
      } else {
      }
    }
    %scan3A_60 = arith.constant 10 : i32
    return
  }
}

</mosaic_0001>

<sc_bundles>
// kernel: _sc_gather.3.cloned.1.call-start
scs
__scs_entry_jumppad:
0x0: {  	(pc) =	sbr.rel $0x88, $3  }
0x1: {  	(tag) =	ssettag $0x0;
	lr =	simm.s32 $0x1  }
0x2: {  	[smem:$0x3F9F] =	sst lr;
	_ =	strace $0xD0000000  }
0x3: {  	_ = 	snop  }
0x4: {  	_ = 	snop  }
0x5: {  	_ = 	snop  }
0x6: {  	_ = 	snop  }
0x7: {  	_ = 	snop  }
__scs_overlays_trampoline_lowered:
0x8: {  	[smem:$0x3FAE] =	sst s0  }
0x9: {  	[smem:$0x3FAF] =	sst s1  }
0xa: {  	[smem:$0x3FB0] =	sst s2  }
0xb: {  	[smem:$0x3FB1] =	sst s3  }
0xc: {  	[smem:$0x3FB2] =	sst s4  }
0xd: {  	[smem:$0x3FB3] =	sst s5  }
0xe: {  	[smem:$0x3FB4] =	sst s6  }
0xf: {  	[smem:$0x3FB5] =	sst s7  }
0x10: {  	[smem:$0x3FB6] =	sst s8  }
0x11: {  	[smem:$0x3FB7] =	sst s9;
	s0 =	simm.s32 @!p0 $0x0  }
0x12: {  	s1 =	sld [smem:$0x3F9D];
	s0 =	simm.s32 @p0 $0x1  }
0x13: {  	[smem:$0x3FB8] =	sst s0;
	s0 =	simm.s32 @!p1 $0x0  }
0x14: {  	s2 =	sld [smem:$0x3F9C];
	s0 =	simm.s32 @p1 $0x1  }
0x15: {  	[smem:$0x3FB9] =	sst s0;
	s0 =	simm.s32 @!p2 $0x0  }
0x16: {  	s3 =	sld [smem:$0x3FDB];
	s0 =	simm.s32 @p2 $0x1  }
0x17: {  	s4 =	simm.s32 $0x1BF5;
	[smem:$0x3FBB] =	sst s0  }
0x18: {  	s0 =	sld [smem:$0x3F9E];
	_ =	swait.ge [sflag:s4], $0x0  }
0x19: {  	s7 =	sld [smem:$0x3F9F]  }
0x1a: {  	s8 =	sadd.s32 $0xFFFFE003, lr  }
0x1b: {  	s9 =	sadd.s32 $0xFFFFFEF7, lr;
	s5 =	simm.s32 $0xFFFFFFFF;
	p2 =	slt.u32 s8, $0xFFFFF086  }
0x1c: {  	p1 =	slt.u32 s9, $0xF7A;
	s5 =	simm.s32 @!p2 $0x0  }
0x1d: {  	s5 =	simm.s32 @p1 $0x1;
	p0 =	seq.s32 s7, s2  }
0x1e: {  	s7 =	smul.u32 @!p0 $0xF7A, s2;
	p2 =	seq.s32 @!p0 s5, $0x0  }
0x1f: {  	s9 =	smul.u32 $0xF7A, s1;
	s8 =	simm.s32 @!p0 $0x1BF5;
	p2 =	por !p2, p0  }
0x20: {  	[sflag:s8] =	ssyncset.s32 @!p0 $0xFFFFF086;
	s6 =	sadd.s32 @!p0 s3, s7;
	s7 =	simm.s32 @!p0 $0x108  }
0x21: {  	s3 =	sadd.s32 s3, s9;
	s6 =	sadd.s32 @!p0 $0x88, s6;
	s7 =	simm.s32 @p2 $0x1082  }
0x22: {  	[simem:s7], [sflag:s8] =	dma.local @!p0 [hbm:s6], $0xF7A  }
0x23: {  	s9 =	sor.u32 $0xD0000000, s2;
	s6 =	simm.s32 $0x108;
	_ =	swait.ge @!p0 [sflag:s8], $0x0  }
0x24: {  	s3 =	sadd.s32 $0x88, s3;
	s6 =	simm.s32 @!p1 $0x1082;
	[sflag:s4] =	ssyncset.s32 $0xFFFFF086  }
0x25: {  	[simem:s6], [sflag:s4] =	dma.local [hbm:s3], $0xF7A  }
0x26: {  	[smem:$0x3F9F] =	sst s1;
	(tag) =	ssettag s2;
	_ =	strace s9  }
0x27: {  	s1 =	sld [smem:$0x3FAF]  }
0x28: {  	s2 =	sld [smem:$0x3FB0]  }
0x29: {  	s4 =	sld [smem:$0x3FB2]  }
0x2a: {  	p0 =	seq.s32 s5, $0x0;
	s5 =	sld [smem:$0x3FB3]  }
0x2b: {  	s6 =	sld [smem:$0x3FB4]  }
0x2c: {  	s7 =	sld [smem:$0x3FB5]  }
0x2d: {  	s3 =	simm.s32 $0x108;
	s8 =	sld [smem:$0x3FB6]  }
0x2e: {  	s3 =	simm.s32 @!p0 $0x1082;
	s9 =	sld [smem:$0x3FB7]  }
0x2f: {  	lr =	sadd.s32 s0, s3;
	s0 =	sld [smem:$0x3FAE]  }
0x30: {  	s3 =	sld [smem:$0x3FB1]  }
0x31: {  	[smem:$0x3FBA] =	sst s10  }
0x32: {  	s10 =	sld [smem:$0x3FB8];
	_ =	sdelay $0x3  }
0x33: {  	p0 =	seq.s32 s10, $0x1;
	s10 =	sld [smem:$0x3FBA];
	_ =	sdelay $0x3  }
0x34: {  	[smem:$0x3FBA] =	sst s10  }
0x35: {  	s10 =	sld [smem:$0x3FB9];
	_ =	sdelay $0x3  }
0x36: {  	p1 =	seq.s32 s10, $0x1;
	s10 =	sld [smem:$0x3FBA];
	_ =	sdelay $0x3  }
0x37: {  	[smem:$0x3FBA] =	sst s10  }
0x38: {  	s10 =	sld [smem:$0x3FBB]  }
0x39: {  	_ = 	snop;
	(pc) =	sbr.ind lr, $3  }
0x3a: {  	_ = 	snop  }
0x3b: {  	_ = 	snop  }
0x3c: {  	p2 =	seq.s32 s10, $0x1;
	s10 =	sld [smem:$0x3FBA]  }
0x3d: {  	_ =	shalt  }
0x3e: {  	_ =	shalt  }
0x3f: {  	_ =	shalt  }
0x40: {  	_ =	shalt  }
0x41: {  	_ =	shalt  }
0x42: {  	_ =	shalt  }
0x43: {  	_ =	shalt  }
0x44: {  	_ =	shalt  }
0x45: {  	_ =	shalt  }
0x46: {  	_ =	shalt  }
0x47: {  	_ =	shalt  }
0x48: {  	_ =	shalt  }
0x49: {  	_ =	shalt  }
0x4a: {  	_ =	shalt  }
0x4b: {  	_ =	shalt  }
0x4c: {  	_ =	shalt  }
0x4d: {  	_ =	shalt  }
0x4e: {  	_ =	shalt  }
0x4f: {  	_ =	shalt  }
0x50: {  	_ =	shalt  }
0x51: {  	_ =	shalt  }
0x52: {  	_ =	shalt  }
0x53: {  	_ =	shalt  }
0x54: {  	_ =	shalt  }
0x55: {  	_ =	shalt  }
0x56: {  	_ =	shalt  }
0x57: {  	_ =	shalt  }
0x58: {  	_ =	shalt  }
0x59: {  	_ =	shalt  }
0x5a: {  	_ =	shalt  }
0x5b: {  	_ =	shalt  }
0x5c: {  	_ =	shalt  }
0x5d: {  	_ =	shalt  }
0x5e: {  	_ =	shalt  }
0x5f: {  	_ =	shalt  }
0x60: {  	_ =	shalt  }
0x61: {  	_ =	shalt  }
0x62: {  	_ =	shalt  }
0x63: {  	_ =	shalt  }
0x64: {  	_ =	shalt  }
0x65: {  	_ =	shalt  }
0x66: {  	_ =	shalt  }
0x67: {  	_ =	shalt  }
0x68: {  	_ =	shalt  }
0x69: {  	_ =	shalt  }
0x6a: {  	_ =	shalt  }
0x6b: {  	_ =	shalt  }
0x6c: {  	_ =	shalt  }
0x6d: {  	_ =	shalt  }
0x6e: {  	_ =	shalt  }
0x6f: {  	_ =	shalt  }
0x70: {  	_ =	shalt  }
0x71: {  	_ =	shalt  }
0x72: {  	_ =	shalt  }
0x73: {  	_ =	shalt  }
0x74: {  	_ =	shalt  }
0x75: {  	_ =	shalt  }
0x76: {  	_ =	shalt  }
0x77: {  	_ =	shalt  }
0x78: {  	_ =	shalt  }
0x79: {  	_ =	shalt  }
0x7a: {  	_ =	shalt  }
0x7b: {  	_ =	shalt  }
0x7c: {  	_ =	shalt  }
0x7d: {  	_ =	shalt  }
0x7e: {  	_ =	shalt  }
0x7f: {  	_ =	shalt  }
0x80: {  	_ =	shalt  }
0x81: {  	_ =	shalt  }
0x82: {  	_ =	shalt  }
0x83: {  	_ =	shalt  }
0x84: {  	_ =	shalt  }
0x85: {  	_ =	shalt  }
0x86: {  	_ =	shalt  }
0x87: {  	_ =	shalt  }
.Lfunc_end0:
.L_simem_size_0:
called_computation.1_lowered:
.L_overlay_start_0:
0x88: {  	s2 =	sld [smem:$0x3FD9]  }
0x89: {  	s3 =	sld [smem:$0x3FFE];
	_ =	sdelay $0x1  }
0x8a: {  	s1 =	srdreg.scid  }
0x8b: {  	s0 =	sand.u32 $0x1, s1  }
0x8c: {  	s17 =	sshll.u32 s0, $0xA;
	s2 =	sadd.s32 s3, s2  }
0x8d: {  	s2 =	sadd.s32 s2, s17  }
0x8e: {  	[smem:$0x3FC6] =	sst s2  }
0x8f: {  	_ = 	snop  }
0x90: {  	s2 =	sld [smem:$0x3FC9]  }
0x91: {  	s18 =	sld [smem:$0x3FD0];
	(tm) =	ssettm $0x1  }
0x92: {  	s4 =	sld [smem:$0x3FFB];
	_ =	sdelay $0x3  }
0x93: {  	_ =	strace s4  }
0x94: {  	s4 =	sld [smem:$0x3FFC];
	_ =	sdelay $0x3  }
0x95: {  	_ =	strace s4  }
0x96: {  	s4 =	sld [smem:$0x3FFD];
	_ =	sdelay $0x3  }
0x97: {  	_ =	strace s4  }
0x98: {  	_ =	strace $0x8FFFFFFF  }
0x99: {  	s19 =	sld [smem:$0x3FDB];
	_ =	sdelay $0x1  }
0x9a: {  	s5 =	simm.s32 $_scs_section_size  }
0x9b: {  	s6 =	simm.s32 $_size__tile_overlayer_lowered;
	s7 =	simm.s32 $_tile_overlayer_lowered  }
0x9c: {  	s22 =	simm.s32 $0x1BFF;
	s21 =	sshll.u32 s7, $0x1;
	s4 =	sadd.s32 s5, s19  }
0x9d: {  	s8 =	simm.s32 $0x0;
	s20 =	sshll.u32 s6, $0x1;
	s6 =	sadd.s32 s21, s4  }
0x9e: {  	[timem:s8], [sflag:s22] =	dma.local [hbm:s6], s20  }
0x9f: {  	_ =	swait.ge [sflag:s22], s20  }
0xa0: {  	s5 =	ssub.s32 $0x0, s20;
	[sflag:s22] =	ssyncset.done $0x0  }
0xa1: {  	[sflag:s22] =	ssyncadd.s32 s5;
	_ =	sdelay $0x1  }
0xa2: {  	s23 =	simm.s32 $0x1B8B  }
0xa3: {  	_ =	swait.ge [sflag:s23], $0x1  }
0xa4: {  	[sflag:s23] =	ssyncset.done $0x0  }
0xa5: {  	s25 =	simm.s32 $0x1B8E;
	s24 =	sld [smem:$0x3FFE];
	[sflag:s23] =	ssyncadd.s32 $0xFFFFFFFF  }
0xa6: {  	s26 =	simm.s32 $execute0_lowered;
	[smem:$0x3FD2] =	sst s25  }
0xa7: {  	s6 =	sshll.u32 s26, $0x1;
	_ =	strace $0x80000046;
	[dreg:$0x1] =	wrdreg $0xFFFFFFFF  }
0xa8: {  	s28 =	simm.s32 $_size_execute0_lowered;
	s4 =	sadd.s32 s4, s6;
	[dreg:$0x0] =	wrdreg $0x0  }
0xa9: {  	s6 =	sshll.u32 s28, $0x1;
	[dreg:$0x2] =	wrdreg s4  }
0xaa: {  	[dreg:$0x3] =	wrdreg s6  }
0xab: {  	[dreg:$0x4] =	wrdreg $0xC0  }
0xac: {  	_ =	task [dreg:s8], $0x5FFFF  }
0xad: {  	[dreg:$0x1] =	wrdreg $0xFFFFFFFF  }
0xae: {  	[dreg:$0x0] =	wrdreg $0x60  }
0xaf: {  	[dreg:$0x2] =	wrdreg s2  }
0xb0: {  	[dreg:$0x3] =	wrdreg s24  }
0xb1: {  	[dreg:$0x4] =	wrdreg s18  }
0xb2: {  	[dreg:$0x5] =	wrdreg $0x9  }
0xb3: {  	_ =	task.clear_ibuf [dreg:s8], $0x6FFFF;
	_ =	strace $0x90000046  }
0xb4: {  	s29 =	simm.s32 $0x9;
	_ =	strace $0x80000048  }
0xb5: {  	_ =	swait.ge [sflag:s29], $0x1  }
0xb6: {  	[sflag:s29] =	ssyncadd.s32 $0xFFFFFFFF  }
0xb7: {  	_ =	strace $0x90000048  }
0xb8: {  	_ =	sfence  }
0xb9: {  	s30 =	sld [smem:$0x0];
	_ =	sdelay $0x2  }
0xba: {  	s31 =	sshll.u32 s1, $0xD;
	s1 =	sshrl.u32 s1, $0x2  }
0xbb: {  	s3 =	sand.u32 $0x4000, s31;
	s1 =	sadd.s32 s1, s30  }
0xbc: {  	s0 =	sor.u32 s3, s0;
	s1 =	sshll.u32 s1, $0x11  }
0xbd: {  	s0 =	sor.u32 s1, s0  }
0xbe: {  	s0 =	sadd.s32 $0x8F2B, s0  }
0xbf: {  	[sflag:s0] =	ssyncadd.remote.s32 $0x1  }
0xc0: {  	_ =	sfence.sel $0xFFFF  }
0xc1: {  	[dreg:$0x0] =	wrdreg $0xFFFFFFFF;
	(pc) =	sbr.abs _section_cstart, $3  }
0xc2: {  	[dreg:$0x1] =	wrdreg $0xFFFFFFFF  }
0xc3: {  	_ =	task.clear_ibuf [dreg:s8], $0x2FFFF;
	_ =	strace $0x9FFFFFFF  }
0xc4: {  	(tm) =	ssettm $0x7FFFFFFF  }
0xc5: {  	_ =	shalt  }
tec
execute0_lowered:
.L_overlay_start_1:
0x0: {  	(tag) =	ssettag $0x1  }
0x1: {  	s0 =	rddreg [dreg:$0x0]  }
0x2: {  	s1 =	rddreg [dreg:$0x1]  }
0x3: {  	s6 =	rddreg [dreg:$0x2];
	s2 =	simm.s32 $0x0;
	s3 =	srdreg.scid  }
0x4: {  	s10 =	stileid.u32;
	s11 =	simm.s32 $0x6;
	s12 =	simm.s32 $0x80  }
0x5: {  	s13 =	simm.s32 $0x1900;
	s14 =	simm.s32 $0x3900;
	s16 =	simm.s32 $0x5900  }
0x6: {  	s18 =	simm.s32 $0x7900;
	s20 =	simm.s32 $0x9900;
	s21 =	simm.s32 $0x1  }
0x7: {  	s22 =	simm.s32 $0x2;
	s23 =	simm.s32 $0x3;
	s4 =	smul.u32 $0x3200, s10  }
0x8: {  	s7 =	sand.u32 $0x1, s3;
	s25 =	sshll.u32 s10, $0x1;
	s10 =	smul.u32 $0x19000, s10  }
0x9: {  	s24 =	simm.s32 $0x4;
	[smem:$0x7FF] =	sst s2;
	s5 =	smul.u32 $0x1900, s7  }
0xa: {  	s3 =	sor.u32 s7, s25;
	_ =	strace $0x80000047;
	s31 =	smul.u32 $0xC800, s7  }
0xb: {  	s8 =	ssub.s32 $0x2, s7;
	s25 =	simm.s32 $0x5;
	s9 =	smul.u32 $0x1900, s3  }
0xc: {  	s3 =	sadd.s32 $0xF42C00, s1;
	s26 =	sshrl.u32 s8, $0x1;
	s4 =	sadd.s32 s5, s4  }
.Ltmp0:
0xd: {  	s1 =	ssub.s32 s8, s26;
	s26 =	simm.s32 $0x0;
	(pc) =	sbr.rel .LBB2_1-.Ltmp0, $4  }
0xe: {  	s28 =	sshrl.u32 s9, $0x3;
	s29 =	sshll.u32 s4, $0x3;
	s5 =	smax.u32 s1, $0x1  }
0xf: {  	s0 =	sadd.s32 s0, s28;
	s30 =	sadd.s32 s29, s6;
	s6 =	sadd.s32 s10, s6  }
0x10: {  	[dreg:$0x4] =	wrdreg s0;
	s0 =	sadd.s32 $0x1000, s30;
	s7 =	sadd.s32 $0xC00, s30  }
0x11: {  	s8 =	sadd.s32 $0x800, s30;
	s9 =	sadd.s32 $0x400, s30;
	s10 =	sadd.s32 s31, s6  }
.LBB2_4:
0x12: {  	s26 =	sadd.s32 $0x1, s26  }
0x13: {  	p0 =	sne.s32 s26, s5  }
.Ltmp1:
0x14: {  	_ = 	snop;
	(pc) =	sbr.rel @!p0 .LBB2_5-.Ltmp1, $1  }
0x15: {  	_ =	sdelay $0x3  }
.LBB2_1:
0x16: {  	s1 =	rddreg [dreg:$0x4]  }
0x17: {  	[tilespmem:s2], [sflag:$0x6] =	stream.linear.gather [hbm4b:s1+s2], $0x1900, $0x38;
	[tilespmem:$0xB900] =	vst v63  }
0x18: {  	_ =	swait.ge [sflag:s11], $0x1900  }
0x19: {  	[sflag:s11] =	ssyncset.done $0x0  }
0x1a: {  	[sflag:s11] =	ssyncadd.s32 $0xFFFFE700  }
0x1b: {  	[tilespmem:s13], [sflag:$0x1] =	stream.indirect.gather [hbm4b:s3+s12], $0x40, s2, s12, $0xb8;
	[tilespmem:$0xB900] =	vst v63  }
0x1c: {  	_ = 	snop  }
0x1d: {  	[tilespmem:s14], [sflag:$0x2] =	stream.indirect.gather [hbm4b:s3+s12], $0x40, s12, s12, $0xb8;
	[tilespmem:$0xB900] =	vst v63  }
0x1e: {  	s15 =	simm.s32 $0x100;
	s17 =	simm.s32 $0x180;
	s19 =	simm.s32 $0x200  }
0x1f: {  	[tilespmem:s16], [sflag:$0x3] =	stream.indirect.gather [hbm4b:s3+s12], $0x40, s15, s12, $0xb8;
	[tilespmem:$0xB900] =	vst v63  }
0x20: {  	s28 =	smov.u32 s10;
	s29 =	smov.u32 s9;
	s30 =	smov.u32 s8  }
0x21: {  	[tilespmem:s18], [sflag:$0x4] =	stream.indirect.gather [hbm4b:s3+s12], $0x40, s17, s12, $0xb8;
	[tilespmem:$0xB900] =	vst v63  }
0x22: {  	s31 =	smov.u32 s7;
	s6 =	smov.u32 s0;
	s1 =	simm.s32 $0x0  }
0x23: {  	[tilespmem:s20], [sflag:$0x5] =	stream.indirect.gather [hbm4b:s3+s12], $0x40, s19, s12, $0xb8;
	[tilespmem:$0xB900] =	vst v63  }
.LBB2_2:
0x24: {  	_ =	swait.ge [sflag:s21], $0x2000  }
0x25: {  	[sflag:s21] =	ssyncset.done $0x0  }
0x26: {  	[sflag:s21] =	ssyncadd.s32 $0xFFFFE000  }
0x27: {  	[hbm4b:s28+s2] =	stream.linear.scatter [tilespmem:s13], [sflag:$0x6], $0x2000, $0x38;
	[tilespmem:$0xB900] =	vst v63  }
0x28: {  	p0 =	seq.s32 s1, $0x5A00;
	_ =	swait.ge [sflag:s11], $0x2000  }
0x29: {  	s15 =	sshra.s32 @!p0 s1, $0x2;
	s19 =	simm.s32 @!p0 $0x80;
	[sflag:s11] =	ssyncset.done $0x0  }
0x2a: {  	s4 =	simm.s32 @!p0 $0x1900;
	s17 =	sadd.s32 @!p0 $0x280, s15;
	[sflag:s11] =	ssyncadd.s32 $0xFFFFE000  }
0x2b: {  	[tilespmem:s4], [sflag:$0x1] =	stream.indirect.gather @!p0 [hbm4b:s3+s19], $0x40, s17, s19, $0xb8;
	[tilespmem:$0xB900] =	vst v63  }
0x2c: {  	_ =	swait.ge [sflag:s22], $0x2000  }
0x2d: {  	[sflag:s22] =	ssyncset.done $0x0  }
0x2e: {  	[sflag:s22] =	ssyncadd.s32 $0xFFFFE000  }
0x2f: {  	[hbm4b:s29+s2] =	stream.linear.scatter [tilespmem:s14], [sflag:$0x6], $0x2000, $0x38;
	[tilespmem:$0xB900] =	vst v63  }
0x30: {  	_ =	swait.ge [sflag:s11], $0x2000  }
0x31: {  	[sflag:s11] =	ssyncset.done $0x0  }
0x32: {  	s4 =	sadd.s32 @!p0 $0x300, s15;
	s17 =	simm.s32 @!p0 $0x3900;
	[sflag:s11] =	ssyncadd.s32 $0xFFFFE000  }
0x33: {  	[tilespmem:s17], [sflag:$0x2] =	stream.indirect.gather @!p0 [hbm4b:s3+s19], $0x40, s4, s19, $0xb8;
	[tilespmem:$0xB900] =	vst v63  }
0x34: {  	_ =	swait.ge [sflag:s23], $0x2000  }
0x35: {  	[sflag:s23] =	ssyncset.done $0x0  }
0x36: {  	[sflag:s23] =	ssyncadd.s32 $0xFFFFE000  }
0x37: {  	[hbm4b:s30+s2] =	stream.linear.scatter [tilespmem:s16], [sflag:$0x6], $0x2000, $0x38;
	[tilespmem:$0xB900] =	vst v63  }
0x38: {  	_ =	swait.ge [sflag:s11], $0x2000  }
0x39: {  	[sflag:s11] =	ssyncset.done $0x0  }
0x3a: {  	s4 =	sadd.s32 @!p0 $0x380, s15;
	s17 =	simm.s32 @!p0 $0x5900;
	[sflag:s11] =	ssyncadd.s32 $0xFFFFE000  }
0x3b: {  	[tilespmem:s17], [sflag:$0x3] =	stream.indirect.gather @!p0 [hbm4b:s3+s19], $0x40, s4, s19, $0xb8;
	[tilespmem:$0xB900] =	vst v63  }
0x3c: {  	_ =	swait.ge [sflag:s24], $0x2000  }
0x3d: {  	[sflag:s24] =	ssyncset.done $0x0  }
0x3e: {  	[sflag:s24] =	ssyncadd.s32 $0xFFFFE000  }
0x3f: {  	[hbm4b:s31+s2] =	stream.linear.scatter [tilespmem:s18], [sflag:$0x6], $0x2000, $0x38;
	[tilespmem:$0xB900] =	vst v63  }
0x40: {  	_ =	swait.ge [sflag:s11], $0x2000  }
0x41: {  	[sflag:s11] =	ssyncset.done $0x0  }
0x42: {  	s4 =	sadd.s32 @!p0 $0x400, s15;
	s15 =	simm.s32 @!p0 $0x7900;
	[sflag:s11] =	ssyncadd.s32 $0xFFFFE000  }
0x43: {  	[tilespmem:s15], [sflag:$0x4] =	stream.indirect.gather @!p0 [hbm4b:s3+s19], $0x40, s4, s19, $0xb8;
	[tilespmem:$0xB900] =	vst v63  }
0x44: {  	_ =	swait.ge [sflag:s25], $0x2000  }
0x45: {  	[sflag:s25] =	ssyncset.done $0x0  }
.Ltmp2:
0x46: {  	[sflag:s25] =	ssyncadd.s32 $0xFFFFE000;
	(pc) =	sbr.rel @p0 .LBB2_4-.Ltmp2, $4  }
0x47: {  	[hbm4b:s6+s2] =	stream.linear.scatter [tilespmem:s20], [sflag:$0x6], $0x2000, $0x38;
	[tilespmem:$0xB900] =	vst v63  }
0x48: {  	_ =	swait.ge [sflag:s11], $0x2000  }
0x49: {  	[sflag:s11] =	ssyncset.done $0x0  }
0x4a: {  	[sflag:s11] =	ssyncadd.s32 $0xFFFFE000  }
.Ltmp3:
0x4b: {  	(pc) =	sbr.rel .LBB2_2-.Ltmp3, $4  }
0x4c: {  	s4 =	sshra.s32 s1, $0x2;
	s1 =	sadd.s32 $0xA00, s1  }
0x4d: {  	s6 =	sadd.s32 $0x1400, s6;
	s31 =	sadd.s32 $0x1400, s31;
	s30 =	sadd.s32 $0x1400, s30  }
0x4e: {  	s29 =	sadd.s32 $0x1400, s29;
	s28 =	sadd.s32 $0x1400, s28;
	s4 =	sadd.s32 $0x480, s4  }
0x4f: {  	[tilespmem:s20], [sflag:$0x5] =	stream.indirect.gather [hbm4b:s3+s12], $0x40, s4, s12, $0xb8;
	[tilespmem:$0xB900] =	vst v63  }
.LBB2_5:
0x50: {  	_ =	sfence.sel $0x180000  }
0x51: {  	[bflag:$0x0] =	sbarrier.arrive $0xFFFF  }
0x52: {  	_ =	strace $0x90000047  }
0x53: {  	s0 =	stileid.u32;
	[bflag:$0x2] =	sbarrier.arrive $0xFFFF  }
0x54: {  	p0 =	sne.s32 s0, $0x0;
	s0 =	rddreg [dreg:$0x3]  }
0x55: {  	s0 =	sadd.s32 @!p0 $0x100000, s0  }
0x56: {  	[sflag:s0] =	ssyncadd.tile.s32 @!p0 $0x1;
	_ =	shalt  }
.Lfunc_end2:
_tile_overlayer_lowered:
.L_overlay_start_2:
0x57: {  	(tag) =	ssettag $0x2  }
0x58: {  	s0 =	rddreg [dreg:$0x0];
	s2 =	stileid.u32  }
0x59: {  	s1 =	rddreg [dreg:$0x1];
	p0 =	sne.s32 s2, $0x0  }
0x5a: {  	s3 =	rddreg [dreg:$0x2];
	[bflag:$0x3] =	sbarrier.arrive $0xFFFF;
	s2 =	simm.s32 @!p0 $0x1C06  }
0x5b: {  	[timem:s3], [sflag:s2] =	dma.local @!p0 [hbm:s0], s1  }
0x5c: {  	s0 =	simm.s32 @!p0 $0x6  }
0x5d: {  	_ =	swait.ge @!p0 [sflag:s0], s1  }
0x5e: {  	s1 =	ssub.s32 @!p0 $0x0, s1;
	[sflag:s0] =	ssyncset.done @!p0 $0x0  }
0x5f: {  	[sflag:s0] =	ssyncadd.s32 @!p0 s1  }
0x60: {  	[bflag:$0x3] =	sbarrier.arrive $0xFFFF  }
0x61: {  	_ =	shalt  }

// kernel: sparse-core-data-format-call.cloned.1.call-start
scs
called_computation_lowered:
.L_overlay_start_0:
0x0: {  	s2 =	sld [smem:$0x3FD9]  }
0x1: {  	s3 =	sld [smem:$0x3FFE];
	_ =	sdelay $0x1  }
0x2: {  	s1 =	srdreg.scid  }
0x3: {  	s0 =	sand.u32 $0x1, s1  }
0x4: {  	s18 =	sshll.u32 s0, $0xA;
	s2 =	sadd.s32 s3, s2  }
0x5: {  	s2 =	sadd.s32 s2, s18  }
0x6: {  	[smem:$0x3FC6] =	sst s2  }
0x7: {  	_ = 	snop  }
0x8: {  	s2 =	sld [smem:$0x3FD0];
	(tm) =	ssettm $0x1  }
0x9: {  	s19 =	sld [smem:$0x3FFB];
	_ =	sdelay $0x3  }
0xa: {  	_ =	strace s19  }
0xb: {  	s3 =	sld [smem:$0x3FFC];
	_ =	sdelay $0x3  }
0xc: {  	_ =	strace s3  }
0xd: {  	s3 =	sld [smem:$0x3FFD];
	_ =	sdelay $0x3  }
0xe: {  	_ =	strace s3  }
0xf: {  	_ =	strace $0x8FFFFFFF  }
0x10: {  	s20 =	sld [smem:$0x3FDB];
	_ =	sdelay $0x1  }
0x11: {  	s4 =	simm.s32 $_scs_section_size  }
0x12: {  	s5 =	simm.s32 $_size__tile_overlayer_lowered;
	s6 =	simm.s32 $_tile_overlayer_lowered  }
0x13: {  	s23 =	simm.s32 $0x1BFF;
	s22 =	sshll.u32 s6, $0x1;
	s3 =	sadd.s32 s4, s20  }
0x14: {  	s7 =	simm.s32 $0x0;
	s21 =	sshll.u32 s5, $0x1;
	s5 =	sadd.s32 s22, s3  }
0x15: {  	[timem:s7], [sflag:s23] =	dma.local [hbm:s5], s21  }
0x16: {  	_ =	swait.ge [sflag:s23], s21  }
0x17: {  	s4 =	ssub.s32 $0x0, s21;
	[sflag:s23] =	ssyncset.done $0x0  }
0x18: {  	[sflag:s23] =	ssyncadd.s32 s4;
	_ =	sdelay $0x1  }
0x19: {  	s24 =	simm.s32 $0x1B8B  }
0x1a: {  	_ =	swait.ge [sflag:s24], $0x1  }
0x1b: {  	[sflag:s24] =	ssyncset.done $0x0  }
0x1c: {  	s26 =	simm.s32 $0x1B8E;
	s25 =	sld [smem:$0x3FFE];
	[sflag:s24] =	ssyncadd.s32 $0xFFFFFFFF  }
0x1d: {  	s27 =	simm.s32 $execute0_lowered;
	[smem:$0x3FD2] =	sst s26  }
0x1e: {  	s5 =	sshll.u32 s27, $0x1;
	_ =	strace $0x80000049;
	[dreg:$0x1] =	wrdreg $0xFFFFFFFF  }
0x1f: {  	s28 =	simm.s32 $_size_execute0_lowered;
	s3 =	sadd.s32 s3, s5;
	[dreg:$0x0] =	wrdreg $0x0  }
0x20: {  	s5 =	sshll.u32 s28, $0x1;
	[dreg:$0x2] =	wrdreg s3  }
0x21: {  	[dreg:$0x3] =	wrdreg s5  }
0x22: {  	[dreg:$0x4] =	wrdreg $0xC0  }
0x23: {  	_ =	task [dreg:s7], $0x5FFFF  }
0x24: {  	[dreg:$0x1] =	wrdreg $0xFFFFFFFF  }
0x25: {  	[dreg:$0x0] =	wrdreg $0x60  }
0x26: {  	[dreg:$0x2] =	wrdreg s25  }
0x27: {  	[dreg:$0x3] =	wrdreg s2  }
0x28: {  	[dreg:$0x4] =	wrdreg $0x9  }
0x29: {  	_ =	task.clear_ibuf [dreg:s7], $0x5FFFF;
	_ =	strace $0x90000049  }
0x2a: {  	s29 =	simm.s32 $0x9;
	_ =	strace $0x8000004B  }
0x2b: {  	_ =	swait.ge [sflag:s29], $0x1  }
0x2c: {  	[sflag:s29] =	ssyncadd.s32 $0xFFFFFFFF  }
0x2d: {  	_ =	strace $0x9000004B  }
0x2e: {  	_ =	sfence  }
0x2f: {  	s30 =	sld [smem:$0x0];
	_ =	sdelay $0x2  }
0x30: {  	s31 =	sshll.u32 s1, $0xD;
	s1 =	sshrl.u32 s1, $0x2  }
0x31: {  	s3 =	sand.u32 $0x4000, s31;
	s1 =	sadd.s32 s1, s30  }
0x32: {  	s0 =	sor.u32 s3, s0;
	s1 =	sshll.u32 s1, $0x11  }
0x33: {  	s0 =	sor.u32 s1, s0  }
0x34: {  	s0 =	sadd.s32 $0x8F2B, s0  }
0x35: {  	[sflag:s0] =	ssyncadd.remote.s32 $0x1  }
0x36: {  	_ =	sfence.sel $0xFFFF  }
0x37: {  	[dreg:$0x0] =	wrdreg $0xFFFFFFFF;
	(pc) =	sbr.abs _section_cstart, $3  }
0x38: {  	[dreg:$0x1] =	wrdreg $0xFFFFFFFF  }
0x39: {  	_ =	task.clear_ibuf [dreg:s7], $0x2FFFF;
	_ =	strace $0x9FFFFFFF  }
0x3a: {  	(tm) =	ssettm $0x7FFFFFFF  }
0x3b: {  	_ =	shalt  }
tec
execute0_lowered:
.L_overlay_start_1:
0x0: {  	(tag) =	ssettag $0x1  }
0x1: {  	s0 =	srdreg.scid  }
0x2: {  	s1 =	sshll.u32 s0, $0x4  }
0x3: {  	s4 =	rddreg [dreg:$0x0];
	s0 =	stileid.u32;
	s1 =	sand.u32 $0x10, s1  }
0x4: {  	s2 =	rddreg [dreg:$0x1];
	s7 =	simm.s32 $0x1;
	s1 =	sor.u32 s0, s1  }
0x5: {  	s8 =	simm.s32 $0x2;
	s11 =	simm.s32 $0x0;
	s3 =	sshll.u32 s1, $0x7  }
0x6: {  	s10 =	simm.s32 $0x0;
	s4 =	sadd.s32 $0x800, s4;
	s6 =	ssub.s32 $0x32000, s3  }
.Ltmp0:
0x7: {  	s1 =	rddreg [dreg:$0x2];
	s5 =	sand.u32 $0xF80, s6;
	(pc) =	sbr.rel .LBB1_1-.Ltmp0, $4  }
0x8: {  	_ =	strace $0x8000004A;
	s9 =	smov.u32 s3;
	p0 =	sne.s32 s5, $0x0  }
0x9: {  	s6 =	sshrl.u32 s6, $0xC;
	s5 =	simm.s32 $0x1;
	s7 =	simm.s32 @!p0 $0x0  }
0xa: {  	[sflag:s5] =	ssyncpa.u1 $0x0;
	p0 =	por $0x0, $0x0;
	s6 =	sadd.s32 s7, s6  }
0xb: {  	[sflag:s8] =	ssyncpa.u1 $0x0;
	s8 =	simm.s32 $0x190000;
	s7 =	sadd.s32 $0x1, s6  }
.LBB1_4:
0xc: {  	s14 =	sshll.u32 s11, $0x3  }
0xd: {  	s30 =	sand.u32 $0x7F, s11;
	s15 =	sand.u32 $0xFFFFFC00, s14  }
0xe: {  	s11 =	sor.u32 s30, s15  }
0xf: {  	s15 =	smulhi.u32 $0x51EB851F, s11  }
0x10: {  	s14 =	smulhi.u32 $0x51EB851F, s14  }
0x11: {  	s15 =	sshrl.u32 s15, $0x10  }
0x12: {  	s14 =	sshrl.u32 s14, $0x10;
	s15 =	smul.u32 $0x32000, s15  }
0x13: {  	s14 =	sand.u32 $0x3F, s14  }
0x14: {  	s14 =	smul.u32 $0x6400, s14;
	s11 =	ssub.s32 s11, s15  }
0x15: {  	[tilespmem:s13+$0x810 ss:$0x81] =	vst.msk $0xffff, v2;
	s15 =	sand.u32 $0x7, s11  }
0x16: {  	[tilespmem:s13+$0x1020 ss:$0x81] =	vst.msk $0xffff, v0;
	s14 =	sadd.s32 s2, s14;
	s11 =	sshrl.u32 s11, $0x3;
	s15 =	sshll.u32 s15, $0x12  }
0x17: {  	[tilespmem:s13+$0x0 ss:$0x81] =	vst.msk $0xffff, v1;
	s11 =	sadd.s32 s11, s14;
	s31 =	sor.u32 $0x400, s15  }
0x18: {  	[hbm4b:s11+s31] =	stream.strided.scatter [tilespmem:s12], [sflag:$0x2], $0x2000, s8, s31, $0x20;
	[tilespmem:$0x8080] =	vst v63  }
.LBB1_5:
0x19: {  	s13 =	sadd.s32 $0x1000, s9  }
0x1a: {  	p2 =	sgt.s32 s13, $0x31FFF  }
0x1b: {  	s13 =	smov.u32 @p2 s3;
	p2 =	sne.s32 s10, s7  }
.Ltmp1:
0x1c: {  	p1 =	slt.u32 s10, $0x2;
	(pc) =	sbr.rel @!p2 .LBB1_6-.Ltmp1, $4  }
0x1d: {  	s12 =	simm.s32 @!p1 $0x2  }
0x1e: {  	s14 =	sadd.s32 $0x1, s10;
	_ =	swait.ge @!p1 [sflag:s12], $0x2000  }
0x1f: {  	s11 =	smov.u32 s9;
	p0 =	por !p0, !p0;
	[sflag:s12] =	ssyncset.done @!p1 $0x0  }
0x20: {  	s10 =	smov.u32 s14;
	s9 =	smov.u32 s13;
	[sflag:s12] =	ssyncadd.s32 @!p1 $0xFFFFE000  }
.LBB1_1:
0x21: {  	p1 =	sge.u32 s10, s6  }
0x22: {  	s12 =	sand.u32 @!p1 $0x1FFFFFF, s9  }
0x23: {  	s13 =	smulhi.u32 @!p1 $0x147AE15, s12;
	_ =	sdelay $0x1  }
0x24: {  	s13 =	sshrl.u32 @!p1 s13, $0xA  }
0x25: {  	s13 =	smul.u32 @!p1 $0x32000, s13;
	_ =	sdelay $0x1  }
0x26: {  	s31 =	sadd.s32 $0xFFFFFFFF, s10;
	s14 =	sxor.u32 @!p1 $0xFFFFFFFF, s10;
	s12 =	ssub.s32 @!p1 s12, s13  }
0x27: {  	s15 =	simm.s32 @!p1 $0x80;
	s14 =	sshll.u32 @!p1 s14, $0xD;
	s12 =	sshll.u32 @!p1 s12, $0x4  }
0x28: {  	s13 =	sand.u32 @!p1 $0x2000, s14;
	s14 =	simm.s32 @!p1 $0x40;
	s12 =	sadd.s32 @!p1 s4, s12  }
0x29: {  	[tilespmem:s13], [sflag:$0x1] =	stream.strided.gather @!p1 [hbm4b:s12+s14], $0x2000, s15, s14, $0x38;
	[tilespmem:$0x8080] =	vst v63  }
0x2a: {  	p1 =	sge.u32 s31, s6  }
.Ltmp2:
0x2b: {  	_ = 	snop;
	(pc) =	sbr.rel @p1 .LBB1_5-.Ltmp2, $1  }
0x2c: {  	_ =	sdelay $0x3  }
0x2d: {  	s12 =	simm.s32 $0x1  }
0x2e: {  	_ =	swait.ge [sflag:s5], $0x2000;
	s12 =	simm.s32 @!p0 $0x0  }
0x2f: {  	[sflag:s5] =	ssyncset.done $0x0;
	s13 =	sshll.u32 s12, $0xD  }
0x30: {  	[sflag:s5] =	ssyncadd.s32 $0xFFFFE000;
	s16 =	sor.u32 $0x20, s13  }
0x31: {  	s12 =	smul.u32 $0x8100, s12;
	v3 =	vld [tilespmem:s16+$0x10]  }
0x32: {  	s30 =	sand.u32 $0x1, s10;
	v2 =	vld [tilespmem:s16+$0xFFFFFFF0]  }
0x33: {  	s13 =	smul.u32 $0x8100, s30;
	s12 =	sshrl.u32 s12, $0x2;
	v0 =	vld [tilespmem:s16+$0x0]  }
0x34: {  	v1 =	vld [tilespmem:s16+$0xFFFFFFE0];
	s14 =	sor.u32 $0x4000, s12  }
0x35: {  	s31 =	sshrl.u32 s13, $0x2;
	s13 =	sadd.s32 $0x0, s14  }
0x36: {  	s15 =	simm.s32 $0x4;
	s16 =	sadd.s32 $0x40, s16;
	s12 =	sor.u32 $0x4000, s31;
	[tilespmem:s13+$0x1830 ss:$0x81] =	vst.msk $0xffff, v3  }
.LBB1_3:
0x37: {  	v3 =	vld [tilespmem:s16+$0x10];
	p1 =	sne.s32 s15, $0x1FC;
	[tilespmem:s13+$0x810 ss:$0x81] =	vst.msk $0xffff, v2;
	s17 =	smov.u32 s15;
	s15 =	sadd.s32 $0x4, s15  }
.Ltmp3:
0x38: {  	v2 =	vld [tilespmem:s16+$0xFFFFFFF0];
	[tilespmem:s13+$0x1020 ss:$0x81] =	vst.msk $0xffff, v0;
	(pc) =	sbr.rel @p1 .LBB1_3-.Ltmp3, $4  }
0x39: {  	v0 =	vld [tilespmem:s16+$0x0];
	[tilespmem:s13+$0x0 ss:$0x81] =	vst.msk $0xffff, v1  }
0x3a: {  	s13 =	sshra.s32 s17, $0x2;
	v1 =	vld [tilespmem:s16+$0xFFFFFFE0]  }
0x3b: {  	s13 =	sadd.s32 s13, s14  }
0x3c: {  	s16 =	sadd.s32 $0x40, s16;
	[tilespmem:s13+$0x1830 ss:$0x81] =	vst.msk $0xffff, v3  }
.Ltmp4:
0x3d: {  	_ = 	snop;
	(pc) =	sbr.rel .LBB1_4-.Ltmp4, $1  }
0x3e: {  	_ =	sdelay $0x3  }
.LBB1_6:
0x3f: {  	_ =	sfence.sel $0x180000  }
0x40: {  	s2 =	simm.s32 $0x1;
	[bflag:$0x0] =	sbarrier.arrive $0xFFFF  }
0x41: {  	s31 =	simm.s32 $0x2;
	[sflag:s2] =	ssyncpa.u1 $0x1  }
0x42: {  	[sflag:s31] =	ssyncpa.u1 $0x1  }
0x43: {  	p0 =	sne.s32 s0, $0x0;
	_ =	strace $0x9000004A  }
0x44: {  	s0 =	sadd.s32 @!p0 $0x100000, s1;
	[bflag:$0x2] =	sbarrier.arrive $0xFFFF  }
0x45: {  	[sflag:s0] =	ssyncadd.tile.s32 @!p0 $0x1;
	_ =	shalt  }
.Lfunc_end1:
_tile_overlayer_lowered:
.L_overlay_start_2:
0x46: {  	(tag) =	ssettag $0x2  }
0x47: {  	s0 =	rddreg [dreg:$0x0];
	s2 =	stileid.u32  }
0x48: {  	s1 =	rddreg [dreg:$0x1];
	p0 =	sne.s32 s2, $0x0  }
0x49: {  	s3 =	rddreg [dreg:$0x2];
	[bflag:$0x3] =	sbarrier.arrive $0xFFFF;
	s2 =	simm.s32 @!p0 $0x1C01  }
0x4a: {  	[timem:s3], [sflag:s2] =	dma.local @!p0 [hbm:s0], s1  }
0x4b: {  	s0 =	simm.s32 @!p0 $0x1  }
0x4c: {  	_ =	swait.ge @!p0 [sflag:s0], s1  }
0x4d: {  	s1 =	ssub.s32 @!p0 $0x0, s1;
	[sflag:s0] =	ssyncset.done @!p0 $0x0  }
0x4e: {  	[sflag:s0] =	ssyncadd.s32 @!p0 s1  }
0x4f: {  	[bflag:$0x3] =	sbarrier.arrive $0xFFFF  }
0x50: {  	_ =	shalt  }

</sc_bundles>
